<compile_context>
chip_gen: v7x
topology: tpu7x:2x2x1
jax: 0.10.2.dev20260603
libtpu: 0.0.44.dev20260713+nightly
codegen_flags: <defaults>
</compile_context>

<pallas_src>
import functools

import jax
import jax.numpy as jnp
from jax import lax
from jax.experimental import pallas as pl
from jax.experimental.pallas import tpu as pltpu
from jax.experimental.pallas import tpu_sc as plsc

N = 10000
NP = 10240
E = 320000
D = 128
NC = 2
NS = 16
CHUNK = 128
EPT = 10112
EP = EPT * NC * NS
NCHUNK = EPT // CHUNK
RPT = NP // NS

_mesh = plsc.VectorSubcoreMesh(core_axis_name="c", subcore_axis_name="s")


@functools.partial(
    pl.kernel,
    out_type=jax.ShapeDtypeStruct((NC, NP), jnp.float32),
    mesh=_mesh,
    scratch_types=[
        pltpu.VMEM((NCHUNK, CHUNK), jnp.int32),
        pltpu.VMEM((CHUNK,), jnp.float32),
        pltpu.VMEM((RPT,), jnp.float32),
        pltpu.VMEM_SHARED((NP,), jnp.float32),
        pltpu.SemaphoreType.DMA,
    ],
)
def _deg_kernel(dst_hbm, deg_hbm, didx, ones_v, zer_v, deg_sp, sem):
    c = lax.axis_index("c")
    s = lax.axis_index("s")
    wid = c * NS + s
    for i in range(CHUNK // 16):
        ones_v[pl.ds(i * 16, 16)] = jnp.ones((16,), jnp.float32)
    for i in range(RPT // 16):
        zer_v[pl.ds(i * 16, 16)] = jnp.zeros((16,), jnp.float32)
    pltpu.sync_copy(zer_v, deg_sp.at[pl.ds(s * RPT, RPT)])
    pltpu.sync_copy(dst_hbm.at[wid], didx)
    plsc.subcore_barrier()

    def fire(j, carry):
        pltpu.async_copy(ones_v, deg_sp.at[didx.at[j]], sem, add=True)
        return carry

    lax.fori_loop(0, NCHUNK, fire, 0)

    def drain(j, carry):
        pltpu.make_async_copy(ones_v, deg_sp.at[didx.at[j]], sem).wait()
        return carry

    lax.fori_loop(0, NCHUNK, drain, 0)
    plsc.subcore_barrier()
    pltpu.sync_copy(deg_sp.at[pl.ds(s * RPT, RPT)],
                    deg_hbm.at[c, pl.ds(s * RPT, RPT)])


@functools.partial(
    pl.kernel,
    out_type=jax.ShapeDtypeStruct((NC, NP, D), jnp.float32),
    mesh=_mesh,
    scratch_types=[
        pltpu.VMEM((NCHUNK, CHUNK), jnp.int32),
        [pltpu.VMEM((CHUNK,), jnp.int32)] * 2,
        [pltpu.VMEM((CHUNK, D), jnp.float32)] * 2,
        [pltpu.SemaphoreType.DMA] * 2,
        [pltpu.SemaphoreType.DMA] * 2,
        pltpu.VMEM_SHARED((NP, D), jnp.float32),
    ],
)
def _msg_kernel(src_hbm, dst_hbm, xlin_hbm, z_hbm, sidx, didx, rows,
                gsem, isem, z_sp):
    c = lax.axis_index("c")
    s = lax.axis_index("s")
    wid = c * NS + s

    def zrow(r, carry):
        for i in range(D // 16):
            rows[0][r, pl.ds(i * 16, 16)] = jnp.zeros((16,), jnp.float32)
        return carry

    lax.fori_loop(0, CHUNK, zrow, 0)
    for k in range(RPT // CHUNK):
        pltpu.sync_copy(rows[0], z_sp.at[pl.ds(s * RPT + k * CHUNK, CHUNK)])
    pltpu.sync_copy(src_hbm.at[wid], sidx)
    plsc.subcore_barrier()

    base = wid * EPT
    for b in range(2):
        pltpu.async_copy(xlin_hbm.at[sidx.at[b]], rows[b], gsem[b])
        off0 = pl.multiple_of(base + b * CHUNK, 8)
        pltpu.async_copy(dst_hbm.at[pl.ds(off0, CHUNK)], didx[b], isem[b])

    def body(j, b):
        off = pl.multiple_of(base + j * CHUNK, 8)
        pltpu.make_async_copy(dst_hbm.at[pl.ds(off, CHUNK)], didx[b],
                              isem[b]).wait()
        pltpu.make_async_copy(xlin_hbm.at[sidx.at[j]], rows[b],
                              gsem[b]).wait()
        pltpu.sync_copy(rows[b], z_sp.at[didx[b]], add=True)

        @pl.when(j + 2 < NCHUNK)
        def _():
            jn = jnp.minimum(j + 2, NCHUNK - 1)
            offn = pl.multiple_of(base, 8) + jn * CHUNK
            pltpu.async_copy(xlin_hbm.at[sidx.at[jn]], rows[b], gsem[b])
            pltpu.async_copy(dst_hbm.at[pl.ds(offn, CHUNK)], didx[b],
                             isem[b])

    def stage(jo, carry):
        body(jo * 2, 0)
        body(jo * 2 + 1, 1)
        return carry

    lax.fori_loop(0, NCHUNK // 2, stage, 0)
    body(NCHUNK - 1, 0)
    plsc.subcore_barrier()
    pltpu.sync_copy(z_sp.at[pl.ds(s * RPT, RPT)],
                    z_hbm.at[c, pl.ds(s * RPT, RPT)])


def _lin_body(x_ref, w_ref, degt_ref, o_ref):
    deg = degt_ref[:N, 0:1] + degt_ref[:N, 1:2] + 1.0
    dinv = lax.rsqrt(deg)
    o_ref[0:N, :] = jnp.dot(x_ref[:] * dinv, w_ref[:],
                            preferred_element_type=jnp.float32)
    o_ref[N:NP, :] = jnp.zeros((NP - N, D), jnp.float32)


def _out_body(z_ref, xlin_ref, degt_ref, b_ref, o_ref):
    deg = degt_ref[:N, 0:1] + degt_ref[:N, 1:2] + 1.0
    dinv = lax.rsqrt(deg)
    zsum = z_ref[0, 0:N] + z_ref[1, 0:N] + xlin_ref[0:N, :]
    o_ref[:] = jnp.maximum(zsum * dinv + b_ref[:], 0.0)


def kernel(x, edge_index, W, b):
    ei = edge_index.astype(jnp.int32)
    nw = NC * NS
    src = jnp.concatenate([ei[0], jnp.zeros((EP - E,), jnp.int32)])
    dst = jnp.concatenate([ei[1], jnp.full((EP - E,), N, jnp.int32)])
    src3 = src.reshape(NCHUNK, nw, CHUNK).swapaxes(0, 1)
    dst3 = dst.reshape(NCHUNK, nw, CHUNK).swapaxes(0, 1)
    dst = dst3.reshape(EP)

    deg2 = _deg_kernel(dst3)
    degt = deg2.T

    xlin = pl.pallas_call(
        _lin_body,
        out_shape=jax.ShapeDtypeStruct((NP, D), jnp.float32),
    )(x, W, degt)

    z2 = _msg_kernel(src3, dst, xlin)

    out = pl.pallas_call(
        _out_body,
        out_shape=jax.ShapeDtypeStruct((N, D), jnp.float32),
    )(z2, xlin, degt, b.reshape(1, D))
    return out

# --- scband reference (transcript-rebuilt; emitter-appended) ---
"""Pipeline reference for scband-gcn-layer-52407190945898 (READ-ONLY COPY).

The authoritative reference and input builder live on the scoring server;
editing this copy changes nothing except your own understanding.
"""

import jax, jax.numpy as jnp
import numpy as np

N_NODES = 10000
N_EDGES = 320000
D_IN = 128
D_OUT = 128

def setup_inputs(seed: int = 0) -> dict:
    key = jax.random.key(seed)
    k1, k2, k3, k4 = jax.random.split(key, 4)
    x = jax.random.normal(k1, (N_NODES, D_IN), dtype=jnp.float32)
    edge_index = jax.random.randint(k2, (2, N_EDGES), 0, N_NODES, dtype=jnp.int64)
    # GCNConv weight (glorot) and bias (zeros init in PyG; use small random for nontrivial grads)
    lim = float(np.sqrt(6.0 / (D_IN + D_OUT)))
    W = jax.random.uniform(k3, (D_IN, D_OUT), dtype=jnp.float32, minval=-lim, maxval=lim)
    b = jax.random.normal(k4, (D_OUT,), dtype=jnp.float32) * 0.01
    return {"x": x, "edge_index": edge_index, "W": W, "b": b}

def reference(x, edge_index, W, b):
    N = x.shape[0]
    src = edge_index[0]
    dst = edge_index[1]
    # GCNConv adds self-loops by default
    loop = jnp.arange(N, dtype=edge_index.dtype)
    src = jnp.concatenate([src, loop], axis=0)
    dst = jnp.concatenate([dst, loop], axis=0)
    # linear transform first (PyG applies lin before propagate)
    x_lin = x @ W
    # symmetric normalization: deg computed on destination (col) after self-loops
    ones = jnp.ones(dst.shape[0], dtype=x.dtype)
    deg = jnp.zeros((N,), dtype=x.dtype).at[dst].add(ones)
    deg_inv_sqrt = jnp.where(deg > 0, jax.lax.rsqrt(jnp.maximum(deg, 1e-12)), 0.0)
    norm = deg_inv_sqrt[src] * deg_inv_sqrt[dst]
    # message passing: scatter-add of normalized source features into dst
    msgs = x_lin[src] * norm[:, None]
    out = jnp.zeros((N, x_lin.shape[1]), dtype=x.dtype).at[dst].add(msgs)
    out = out + b
    # activation_function == 'relu'
    return jax.nn.relu(out)

if __name__ == "__main__":
    import jax
    _d = setup_inputs()
    print(jax.jit(kernel)(*tuple(_d.values())))

</pallas_src>

<mosaic_0001>
#map = affine_map<(d0, d1) -> (0, 0, 0)>
#map1 = affine_map<(d0, d1) -> (0, 0)>
module attributes {stable_mosaic.version = 14 : i64} {
  func.func @_deg_kernel(%arg0: i32, %arg1: i32, %arg2: memref<32x79x128xi32, #tpu.memory_space<hbm>>, %arg3: memref<2x10240xf32, #tpu.memory_space<hbm>>, %arg4: memref<79x128xi32, #tpu.memory_space<vmem>>, %arg5: memref<128xf32, #tpu.memory_space<vmem>>, %arg6: memref<640xf32, #tpu.memory_space<vmem>>, %arg7: memref<10240xf32, #tpu.memory_space<vmem_shared>>, %arg8: memref<!tpu.dma_semaphore, #tpu.memory_space<semaphore_mem>>) attributes {dimension_semantics = [#tpu.dimension_semantics<core_parallel>, #tpu.dimension_semantics<subcore_parallel>], iteration_bounds = array<i64: 2, 16>, scalar_prefetch = 0 : i64, scratch_operands = 5 : i64, tpu.core_type = #tpu.core_type<sc_vector_subcore>, window_params = [{transform_indices = #map}, {transform_indices = #map1}]} {
    %mul3A = arith.constant 16 : i32
    %mul3A_0 = arith.muli %arg0, %mul3A : i32
    %add3A = arith.addi %mul3A_0, %arg1 : i32
    %broadcast_in_dim3A = arith.constant 1.000000e+00 : f32
    %broadcast_in_dim3A_1 = vector.broadcast %broadcast_in_dim3A : f32 to vector<16xf32>
    %swap3A = arith.constant 0 : index
    %swap3A_2 = tpu.vector_load %arg5[%swap3A] {strides = array<i32>} : memref<128xf32, #tpu.memory_space<vmem>>, vector<16xf32>,
    %swap3A_3 = vector.shape_cast %swap3A_2 : vector<16xf32> to vector<16xf32>
    %swap3A_4 = vector.shape_cast %broadcast_in_dim3A_1 : vector<16xf32> to vector<16xf32>
    tpu.vector_store %arg5[%swap3A], %swap3A_4 {strides = array<i32>} : memref<128xf32, #tpu.memory_space<vmem>>, vector<16xf32>,
    %broadcast_in_dim3A_5 = arith.constant 1.000000e+00 : f32
    %broadcast_in_dim3A_6 = vector.broadcast %broadcast_in_dim3A_5 : f32 to vector<16xf32>
    %swap3A_7 = arith.constant 16 : index
    %swap3A_8 = tpu.vector_load %arg5[%swap3A_7] {strides = array<i32>} : memref<128xf32, #tpu.memory_space<vmem>>, vector<16xf32>,
    %swap3A_9 = vector.shape_cast %swap3A_8 : vector<16xf32> to vector<16xf32>
    %swap3A_10 = vector.shape_cast %broadcast_in_dim3A_6 : vector<16xf32> to vector<16xf32>
    tpu.vector_store %arg5[%swap3A_7], %swap3A_10 {strides = array<i32>} : memref<128xf32, #tpu.memory_space<vmem>>, vector<16xf32>,
    %broadcast_in_dim3A_11 = arith.constant 1.000000e+00 : f32
    %broadcast_in_dim3A_12 = vector.broadcast %broadcast_in_dim3A_11 : f32 to vector<16xf32>
    %swap3A_13 = arith.constant 32 : index
    %swap3A_14 = tpu.vector_load %arg5[%swap3A_13] {strides = array<i32>} : memref<128xf32, #tpu.memory_space<vmem>>, vector<16xf32>,
    %swap3A_15 = vector.shape_cast %swap3A_14 : vector<16xf32> to vector<16xf32>
    %swap3A_16 = vector.shape_cast %broadcast_in_dim3A_12 : vector<16xf32> to vector<16xf32>
    tpu.vector_store %arg5[%swap3A_13], %swap3A_16 {strides = array<i32>} : memref<128xf32, #tpu.memory_space<vmem>>, vector<16xf32>,
    %broadcast_in_dim3A_17 = arith.constant 1.000000e+00 : f32
    %broadcast_in_dim3A_18 = vector.broadcast %broadcast_in_dim3A_17 : f32 to vector<16xf32>
    %swap3A_19 = arith.constant 48 : index
    %swap3A_20 = tpu.vector_load %arg5[%swap3A_19] {strides = array<i32>} : memref<128xf32, #tpu.memory_space<vmem>>, vector<16xf32>,
    %swap3A_21 = vector.shape_cast %swap3A_20 : vector<16xf32> to vector<16xf32>
    %swap3A_22 = vector.shape_cast %broadcast_in_dim3A_18 : vector<16xf32> to vector<16xf32>
    tpu.vector_store %arg5[%swap3A_19], %swap3A_22 {strides = array<i32>} : memref<128xf32, #tpu.memory_space<vmem>>, vector<16xf32>,
    %broadcast_in_dim3A_23 = arith.constant 1.000000e+00 : f32
    %broadcast_in_dim3A_24 = vector.broadcast %broadcast_in_dim3A_23 : f32 to vector<16xf32>
    %swap3A_25 = arith.constant 64 : index
    %swap3A_26 = tpu.vector_load %arg5[%swap3A_25] {strides = array<i32>} : memref<128xf32, #tpu.memory_space<vmem>>, vector<16xf32>,
    %swap3A_27 = vector.shape_cast %swap3A_26 : vector<16xf32> to vector<16xf32>
    %swap3A_28 = vector.shape_cast %broadcast_in_dim3A_24 : vector<16xf32> to vector<16xf32>
    tpu.vector_store %arg5[%swap3A_25], %swap3A_28 {strides = array<i32>} : memref<128xf32, #tpu.memory_space<vmem>>, vector<16xf32>,
    %broadcast_in_dim3A_29 = arith.constant 1.000000e+00 : f32
    %broadcast_in_dim3A_30 = vector.broadcast %broadcast_in_dim3A_29 : f32 to vector<16xf32>
    %swap3A_31 = arith.constant 80 : index
    %swap3A_32 = tpu.vector_load %arg5[%swap3A_31] {strides = array<i32>} : memref<128xf32, #tpu.memory_space<vmem>>, vector<16xf32>,
    %swap3A_33 = vector.shape_cast %swap3A_32 : vector<16xf32> to vector<16xf32>
    %swap3A_34 = vector.shape_cast %broadcast_in_dim3A_30 : vector<16xf32> to vector<16xf32>
    tpu.vector_store %arg5[%swap3A_31], %swap3A_34 {strides = array<i32>} : memref<128xf32, #tpu.memory_space<vmem>>, vector<16xf32>,
    %broadcast_in_dim3A_35 = arith.constant 1.000000e+00 : f32
    %broadcast_in_dim3A_36 = vector.broadcast %broadcast_in_dim3A_35 : f32 to vector<16xf32>
    %swap3A_37 = arith.constant 96 : index
    %swap3A_38 = tpu.vector_load %arg5[%swap3A_37] {strides = array<i32>} : memref<128xf32, #tpu.memory_space<vmem>>, vector<16xf32>,
    %swap3A_39 = vector.shape_cast %swap3A_38 : vector<16xf32> to vector<16xf32>
    %swap3A_40 = vector.shape_cast %broadcast_in_dim3A_36 : vector<16xf32> to vector<16xf32>
    tpu.vector_store %arg5[%swap3A_37], %swap3A_40 {strides = array<i32>} : memref<128xf32, #tpu.memory_space<vmem>>, vector<16xf32>,
    %broadcast_in_dim3A_41 = arith.constant 1.000000e+00 : f32
    %broadcast_in_dim3A_42 = vector.broadcast %broadcast_in_dim3A_41 : f32 to vector<16xf32>
    %swap3A_43 = arith.constant 112 : index
    %swap3A_44 = tpu.vector_load %arg5[%swap3A_43] {strides = array<i32>} : memref<128xf32, #tpu.memory_space<vmem>>, vector<16xf32>,
    %swap3A_45 = vector.shape_cast %swap3A_44 : vector<16xf32> to vector<16xf32>
    %swap3A_46 = vector.shape_cast %broadcast_in_dim3A_42 : vector<16xf32> to vector<16xf32>
    tpu.vector_store %arg5[%swap3A_43], %swap3A_46 {strides = array<i32>} : memref<128xf32, #tpu.memory_space<vmem>>, vector<16xf32>,
    %broadcast_in_dim3A_47 = arith.constant 0.000000e+00 : f32
    %broadcast_in_dim3A_48 = vector.broadcast %broadcast_in_dim3A_47 : f32 to vector<16xf32>
    %swap3A_49 = arith.constant 0 : index
    %swap3A_50 = tpu.vector_load %arg6[%swap3A_49] {strides = array<i32>} : memref<640xf32, #tpu.memory_space<vmem>>, vector<16xf32>,
    %swap3A_51 = vector.shape_cast %swap3A_50 : vector<16xf32> to vector<16xf32>
    %swap3A_52 = vector.shape_cast %broadcast_in_dim3A_48 : vector<16xf32> to vector<16xf32>
    tpu.vector_store %arg6[%swap3A_49], %swap3A_52 {strides = array<i32>} : memref<640xf32, #tpu.memory_space<vmem>>, vector<16xf32>,
    %broadcast_in_dim3A_53 = arith.constant 0.000000e+00 : f32
    %broadcast_in_dim3A_54 = vector.broadcast %broadcast_in_dim3A_53 : f32 to vector<16xf32>
    %swap3A_55 = arith.constant 16 : index
    %swap3A_56 = tpu.vector_load %arg6[%swap3A_55] {strides = array<i32>} : memref<640xf32, #tpu.memory_space<vmem>>, vector<16xf32>,
    %swap3A_57 = vector.shape_cast %swap3A_56 : vector<16xf32> to vector<16xf32>
    %swap3A_58 = vector.shape_cast %broadcast_in_dim3A_54 : vector<16xf32> to vector<16xf32>
    tpu.vector_store %arg6[%swap3A_55], %swap3A_58 {strides = array<i32>} : memref<640xf32, #tpu.memory_space<vmem>>, vector<16xf32>,
    %broadcast_in_dim3A_59 = arith.constant 0.000000e+00 : f32
    %broadcast_in_dim3A_60 = vector.broadcast %broadcast_in_dim3A_59 : f32 to vector<16xf32>
    %swap3A_61 = arith.constant 32 : index
    %swap3A_62 = tpu.vector_load %arg6[%swap3A_61] {strides = array<i32>} : memref<640xf32, #tpu.memory_space<vmem>>, vector<16xf32>,
    %swap3A_63 = vector.shape_cast %swap3A_62 : vector<16xf32> to vector<16xf32>
    %swap3A_64 = vector.shape_cast %broadcast_in_dim3A_60 : vector<16xf32> to vector<16xf32>
    tpu.vector_store %arg6[%swap3A_61], %swap3A_64 {strides = array<i32>} : memref<640xf32, #tpu.memory_space<vmem>>, vector<16xf32>,
    %broadcast_in_dim3A_65 = arith.constant 0.000000e+00 : f32
    %broadcast_in_dim3A_66 = vector.broadcast %broadcast_in_dim3A_65 : f32 to vector<16xf32>
    %swap3A_67 = arith.constant 48 : index
    %swap3A_68 = tpu.vector_load %arg6[%swap3A_67] {strides = array<i32>} : memref<640xf32, #tpu.memory_space<vmem>>, vector<16xf32>,
    %swap3A_69 = vector.shape_cast %swap3A_68 : vector<16xf32> to vector<16xf32>
    %swap3A_70 = vector.shape_cast %broadcast_in_dim3A_66 : vector<16xf32> to vector<16xf32>
    tpu.vector_store %arg6[%swap3A_67], %swap3A_70 {strides = array<i32>} : memref<640xf32, #tpu.memory_space<vmem>>, vector<16xf32>,
    %broadcast_in_dim3A_71 = arith.constant 0.000000e+00 : f32
    %broadcast_in_dim3A_72 = vector.broadcast %broadcast_in_dim3A_71 : f32 to vector<16xf32>
    %swap3A_73 = arith.constant 64 : index
    %swap3A_74 = tpu.vector_load %arg6[%swap3A_73] {strides = array<i32>} : memref<640xf32, #tpu.memory_space<vmem>>, vector<16xf32>,
    %swap3A_75 = vector.shape_cast %swap3A_74 : vector<16xf32> to vector<16xf32>
    %swap3A_76 = vector.shape_cast %broadcast_in_dim3A_72 : vector<16xf32> to vector<16xf32>
    tpu.vector_store %arg6[%swap3A_73], %swap3A_76 {strides = array<i32>} : memref<640xf32, #tpu.memory_space<vmem>>, vector<16xf32>,
    %broadcast_in_dim3A_77 = arith.constant 0.000000e+00 : f32
    %broadcast_in_dim3A_78 = vector.broadcast %broadcast_in_dim3A_77 : f32 to vector<16xf32>
    %swap3A_79 = arith.constant 80 : index
    %swap3A_80 = tpu.vector_load %arg6[%swap3A_79] {strides = array<i32>} : memref<640xf32, #tpu.memory_space<vmem>>, vector<16xf32>,
    %swap3A_81 = vector.shape_cast %swap3A_80 : vector<16xf32> to vector<16xf32>
    %swap3A_82 = vector.shape_cast %broadcast_in_dim3A_78 : vector<16xf32> to vector<16xf32>
    tpu.vector_store %arg6[%swap3A_79], %swap3A_82 {strides = array<i32>} : memref<640xf32, #tpu.memory_space<vmem>>, vector<16xf32>,
    %broadcast_in_dim3A_83 = arith.constant 0.000000e+00 : f32
    %broadcast_in_dim3A_84 = vector.broadcast %broadcast_in_dim3A_83 : f32 to vector<16xf32>
    %swap3A_85 = arith.constant 96 : index
    %swap3A_86 = tpu.vector_load %arg6[%swap3A_85] {strides = array<i32>} : memref<640xf32, #tpu.memory_space<vmem>>, vector<16xf32>,
    %swap3A_87 = vector.shape_cast %swap3A_86 : vector<16xf32> to vector<16xf32>
    %swap3A_88 = vector.shape_cast %broadcast_in_dim3A_84 : vector<16xf32> to vector<16xf32>
    tpu.vector_store %arg6[%swap3A_85], %swap3A_88 {strides = array<i32>} : memref<640xf32, #tpu.memory_space<vmem>>, vector<16xf32>,
    %broadcast_in_dim3A_89 = arith.constant 0.000000e+00 : f32
    %broadcast_in_dim3A_90 = vector.broadcast %broadcast_in_dim3A_89 : f32 to vector<16xf32>
    %swap3A_91 = arith.constant 112 : index
    %swap3A_92 = tpu.vector_load %arg6[%swap3A_91] {strides = array<i32>} : memref<640xf32, #tpu.memory_space<vmem>>, vector<16xf32>,
    %swap3A_93 = vector.shape_cast %swap3A_92 : vector<16xf32> to vector<16xf32>
    %swap3A_94 = vector.shape_cast %broadcast_in_dim3A_90 : vector<16xf32> to vector<16xf32>
    tpu.vector_store %arg6[%swap3A_91], %swap3A_94 {strides = array<i32>} : memref<640xf32, #tpu.memory_space<vmem>>, vector<16xf32>,
    %broadcast_in_dim3A_95 = arith.constant 0.000000e+00 : f32
    %broadcast_in_dim3A_96 = vector.broadcast %broadcast_in_dim3A_95 : f32 to vector<16xf32>
    %swap3A_97 = arith.constant 128 : index
    %swap3A_98 = tpu.vector_load %arg6[%swap3A_97] {strides = array<i32>} : memref<640xf32, #tpu.memory_space<vmem>>, vector<16xf32>,
    %swap3A_99 = vector.shape_cast %swap3A_98 : vector<16xf32> to vector<16xf32>
    %swap3A_100 = vector.shape_cast %broadcast_in_dim3A_96 : vector<16xf32> to vector<16xf32>
    tpu.vector_store %arg6[%swap3A_97], %swap3A_100 {strides = array<i32>} : memref<640xf32, #tpu.memory_space<vmem>>, vector<16xf32>,
    %broadcast_in_dim3A_101 = arith.constant 0.000000e+00 : f32
    %broadcast_in_dim3A_102 = vector.broadcast %broadcast_in_dim3A_101 : f32 to vector<16xf32>
    %swap3A_103 = arith.constant 144 : index
    %swap3A_104 = tpu.vector_load %arg6[%swap3A_103] {strides = array<i32>} : memref<640xf32, #tpu.memory_space<vmem>>, vector<16xf32>,
    %swap3A_105 = vector.shape_cast %swap3A_104 : vector<16xf32> to vector<16xf32>
    %swap3A_106 = vector.shape_cast %broadcast_in_dim3A_102 : vector<16xf32> to vector<16xf32>
    tpu.vector_store %arg6[%swap3A_103], %swap3A_106 {strides = array<i32>} : memref<640xf32, #tpu.memory_space<vmem>>, vector<16xf32>,
    %broadcast_in_dim3A_107 = arith.constant 0.000000e+00 : f32
    %broadcast_in_dim3A_108 = vector.broadcast %broadcast_in_dim3A_107 : f32 to vector<16xf32>
    %swap3A_109 = arith.constant 160 : index
    %swap3A_110 = tpu.vector_load %arg6[%swap3A_109] {strides = array<i32>} : memref<640xf32, #tpu.memory_space<vmem>>, vector<16xf32>,
    %swap3A_111 = vector.shape_cast %swap3A_110 : vector<16xf32> to vector<16xf32>
    %swap3A_112 = vector.shape_cast %broadcast_in_dim3A_108 : vector<16xf32> to vector<16xf32>
    tpu.vector_store %arg6[%swap3A_109], %swap3A_112 {strides = array<i32>} : memref<640xf32, #tpu.memory_space<vmem>>, vector<16xf32>,
    %broadcast_in_dim3A_113 = arith.constant 0.000000e+00 : f32
    %broadcast_in_dim3A_114 = vector.broadcast %broadcast_in_dim3A_113 : f32 to vector<16xf32>
    %swap3A_115 = arith.constant 176 : index
    %swap3A_116 = tpu.vector_load %arg6[%swap3A_115] {strides = array<i32>} : memref<640xf32, #tpu.memory_space<vmem>>, vector<16xf32>,
    %swap3A_117 = vector.shape_cast %swap3A_116 : vector<16xf32> to vector<16xf32>
    %swap3A_118 = vector.shape_cast %broadcast_in_dim3A_114 : vector<16xf32> to vector<16xf32>
    tpu.vector_store %arg6[%swap3A_115], %swap3A_118 {strides = array<i32>} : memref<640xf32, #tpu.memory_space<vmem>>, vector<16xf32>,
    %broadcast_in_dim3A_119 = arith.constant 0.000000e+00 : f32
    %broadcast_in_dim3A_120 = vector.broadcast %broadcast_in_dim3A_119 : f32 to vector<16xf32>
    %swap3A_121 = arith.constant 192 : index
    %swap3A_122 = tpu.vector_load %arg6[%swap3A_121] {strides = array<i32>} : memref<640xf32, #tpu.memory_space<vmem>>, vector<16xf32>,
    %swap3A_123 = vector.shape_cast %swap3A_122 : vector<16xf32> to vector<16xf32>
    %swap3A_124 = vector.shape_cast %broadcast_in_dim3A_120 : vector<16xf32> to vector<16xf32>
    tpu.vector_store %arg6[%swap3A_121], %swap3A_124 {strides = array<i32>} : memref<640xf32, #tpu.memory_space<vmem>>, vector<16xf32>,
    %broadcast_in_dim3A_125 = arith.constant 0.000000e+00 : f32
    %broadcast_in_dim3A_126 = vector.broadcast %broadcast_in_dim3A_125 : f32 to vector<16xf32>
    %swap3A_127 = arith.constant 208 : index
    %swap3A_128 = tpu.vector_load %arg6[%swap3A_127] {strides = array<i32>} : memref<640xf32, #tpu.memory_space<vmem>>, vector<16xf32>,
    %swap3A_129 = vector.shape_cast %swap3A_128 : vector<16xf32> to vector<16xf32>
    %swap3A_130 = vector.shape_cast %broadcast_in_dim3A_126 : vector<16xf32> to vector<16xf32>
    tpu.vector_store %arg6[%swap3A_127], %swap3A_130 {strides = array<i32>} : memref<640xf32, #tpu.memory_space<vmem>>, vector<16xf32>,
    %broadcast_in_dim3A_131 = arith.constant 0.000000e+00 : f32
    %broadcast_in_dim3A_132 = vector.broadcast %broadcast_in_dim3A_131 : f32 to vector<16xf32>
    %swap3A_133 = arith.constant 224 : index
    %swap3A_134 = tpu.vector_load %arg6[%swap3A_133] {strides = array<i32>} : memref<640xf32, #tpu.memory_space<vmem>>, vector<16xf32>,
    %swap3A_135 = vector.shape_cast %swap3A_134 : vector<16xf32> to vector<16xf32>
    %swap3A_136 = vector.shape_cast %broadcast_in_dim3A_132 : vector<16xf32> to vector<16xf32>
    tpu.vector_store %arg6[%swap3A_133], %swap3A_136 {strides = array<i32>} : memref<640xf32, #tpu.memory_space<vmem>>, vector<16xf32>,
    %broadcast_in_dim3A_137 = arith.constant 0.000000e+00 : f32
    %broadcast_in_dim3A_138 = vector.broadcast %broadcast_in_dim3A_137 : f32 to vector<16xf32>
    %swap3A_139 = arith.constant 240 : index
    %swap3A_140 = tpu.vector_load %arg6[%swap3A_139] {strides = array<i32>} : memref<640xf32, #tpu.memory_space<vmem>>, vector<16xf32>,
    %swap3A_141 = vector.shape_cast %swap3A_140 : vector<16xf32> to vector<16xf32>
    %swap3A_142 = vector.shape_cast %broadcast_in_dim3A_138 : vector<16xf32> to vector<16xf32>
    tpu.vector_store %arg6[%swap3A_139], %swap3A_142 {strides = array<i32>} : memref<640xf32, #tpu.memory_space<vmem>>, vector<16xf32>,
    %broadcast_in_dim3A_143 = arith.constant 0.000000e+00 : f32
    %broadcast_in_dim3A_144 = vector.broadcast %broadcast_in_dim3A_143 : f32 to vector<16xf32>
    %swap3A_145 = arith.constant 256 : index
    %swap3A_146 = tpu.vector_load %arg6[%swap3A_145] {strides = array<i32>} : memref<640xf32, #tpu.memory_space<vmem>>, vector<16xf32>,
    %swap3A_147 = vector.shape_cast %swap3A_146 : vector<16xf32> to vector<16xf32>
    %swap3A_148 = vector.shape_cast %broadcast_in_dim3A_144 : vector<16xf32> to vector<16xf32>
    tpu.vector_store %arg6[%swap3A_145], %swap3A_148 {strides = array<i32>} : memref<640xf32, #tpu.memory_space<vmem>>, vector<16xf32>,
    %broadcast_in_dim3A_149 = arith.constant 0.000000e+00 : f32
    %broadcast_in_dim3A_150 = vector.broadcast %broadcast_in_dim3A_149 : f32 to vector<16xf32>
    %swap3A_151 = arith.constant 272 : index
    %swap3A_152 = tpu.vector_load %arg6[%swap3A_151] {strides = array<i32>} : memref<640xf32, #tpu.memory_space<vmem>>, vector<16xf32>,
    %swap3A_153 = vector.shape_cast %swap3A_152 : vector<16xf32> to vector<16xf32>
    %swap3A_154 = vector.shape_cast %broadcast_in_dim3A_150 : vector<16xf32> to vector<16xf32>
    tpu.vector_store %arg6[%swap3A_151], %swap3A_154 {strides = array<i32>} : memref<640xf32, #tpu.memory_space<vmem>>, vector<16xf32>,
    %broadcast_in_dim3A_155 = arith.constant 0.000000e+00 : f32
    %broadcast_in_dim3A_156 = vector.broadcast %broadcast_in_dim3A_155 : f32 to vector<16xf32>
    %swap3A_157 = arith.constant 288 : index
    %swap3A_158 = tpu.vector_load %arg6[%swap3A_157] {strides = array<i32>} : memref<640xf32, #tpu.memory_space<vmem>>, vector<16xf32>,
    %swap3A_159 = vector.shape_cast %swap3A_158 : vector<16xf32> to vector<16xf32>
    %swap3A_160 = vector.shape_cast %broadcast_in_dim3A_156 : vector<16xf32> to vector<16xf32>
    tpu.vector_store %arg6[%swap3A_157], %swap3A_160 {strides = array<i32>} : memref<640xf32, #tpu.memory_space<vmem>>, vector<16xf32>,
    %broadcast_in_dim3A_161 = arith.constant 0.000000e+00 : f32
    %broadcast_in_dim3A_162 = vector.broadcast %broadcast_in_dim3A_161 : f32 to vector<16xf32>
    %swap3A_163 = arith.constant 304 : index
    %swap3A_164 = tpu.vector_load %arg6[%swap3A_163] {strides = array<i32>} : memref<640xf32, #tpu.memory_space<vmem>>, vector<16xf32>,
    %swap3A_165 = vector.shape_cast %swap3A_164 : vector<16xf32> to vector<16xf32>
    %swap3A_166 = vector.shape_cast %broadcast_in_dim3A_162 : vector<16xf32> to vector<16xf32>
    tpu.vector_store %arg6[%swap3A_163], %swap3A_166 {strides = array<i32>} : memref<640xf32, #tpu.memory_space<vmem>>, vector<16xf32>,
    %broadcast_in_dim3A_167 = arith.constant 0.000000e+00 : f32
    %broadcast_in_dim3A_168 = vector.broadcast %broadcast_in_dim3A_167 : f32 to vector<16xf32>
    %swap3A_169 = arith.constant 320 : index
    %swap3A_170 = tpu.vector_load %arg6[%swap3A_169] {strides = array<i32>} : memref<640xf32, #tpu.memory_space<vmem>>, vector<16xf32>,
    %swap3A_171 = vector.shape_cast %swap3A_170 : vector<16xf32> to vector<16xf32>
    %swap3A_172 = vector.shape_cast %broadcast_in_dim3A_168 : vector<16xf32> to vector<16xf32>
    tpu.vector_store %arg6[%swap3A_169], %swap3A_172 {strides = array<i32>} : memref<640xf32, #tpu.memory_space<vmem>>, vector<16xf32>,
    %broadcast_in_dim3A_173 = arith.constant 0.000000e+00 : f32
    %broadcast_in_dim3A_174 = vector.broadcast %broadcast_in_dim3A_173 : f32 to vector<16xf32>
    %swap3A_175 = arith.constant 336 : index
    %swap3A_176 = tpu.vector_load %arg6[%swap3A_175] {strides = array<i32>} : memref<640xf32, #tpu.memory_space<vmem>>, vector<16xf32>,
    %swap3A_177 = vector.shape_cast %swap3A_176 : vector<16xf32> to vector<16xf32>
    %swap3A_178 = vector.shape_cast %broadcast_in_dim3A_174 : vector<16xf32> to vector<16xf32>
    tpu.vector_store %arg6[%swap3A_175], %swap3A_178 {strides = array<i32>} : memref<640xf32, #tpu.memory_space<vmem>>, vector<16xf32>,
    %broadcast_in_dim3A_179 = arith.constant 0.000000e+00 : f32
    %broadcast_in_dim3A_180 = vector.broadcast %broadcast_in_dim3A_179 : f32 to vector<16xf32>
    %swap3A_181 = arith.constant 352 : index
    %swap3A_182 = tpu.vector_load %arg6[%swap3A_181] {strides = array<i32>} : memref<640xf32, #tpu.memory_space<vmem>>, vector<16xf32>,
    %swap3A_183 = vector.shape_cast %swap3A_182 : vector<16xf32> to vector<16xf32>
    %swap3A_184 = vector.shape_cast %broadcast_in_dim3A_180 : vector<16xf32> to vector<16xf32>
    tpu.vector_store %arg6[%swap3A_181], %swap3A_184 {strides = array<i32>} : memref<640xf32, #tpu.memory_space<vmem>>, vector<16xf32>,
    %broadcast_in_dim3A_185 = arith.constant 0.000000e+00 : f32
    %broadcast_in_dim3A_186 = vector.broadcast %broadcast_in_dim3A_185 : f32 to vector<16xf32>
    %swap3A_187 = arith.constant 368 : index
    %swap3A_188 = tpu.vector_load %arg6[%swap3A_187] {strides = array<i32>} : memref<640xf32, #tpu.memory_space<vmem>>, vector<16xf32>,
    %swap3A_189 = vector.shape_cast %swap3A_188 : vector<16xf32> to vector<16xf32>
    %swap3A_190 = vector.shape_cast %broadcast_in_dim3A_186 : vector<16xf32> to vector<16xf32>
    tpu.vector_store %arg6[%swap3A_187], %swap3A_190 {strides = array<i32>} : memref<640xf32, #tpu.memory_space<vmem>>, vector<16xf32>,
    %broadcast_in_dim3A_191 = arith.constant 0.000000e+00 : f32
    %broadcast_in_dim3A_192 = vector.broadcast %broadcast_in_dim3A_191 : f32 to vector<16xf32>
    %swap3A_193 = arith.constant 384 : index
    %swap3A_194 = tpu.vector_load %arg6[%swap3A_193] {strides = array<i32>} : memref<640xf32, #tpu.memory_space<vmem>>, vector<16xf32>,
    %swap3A_195 = vector.shape_cast %swap3A_194 : vector<16xf32> to vector<16xf32>
    %swap3A_196 = vector.shape_cast %broadcast_in_dim3A_192 : vector<16xf32> to vector<16xf32>
    tpu.vector_store %arg6[%swap3A_193], %swap3A_196 {strides = array<i32>} : memref<640xf32, #tpu.memory_space<vmem>>, vector<16xf32>,
    %broadcast_in_dim3A_197 = arith.constant 0.000000e+00 : f32
    %broadcast_in_dim3A_198 = vector.broadcast %broadcast_in_dim3A_197 : f32 to vector<16xf32>
    %swap3A_199 = arith.constant 400 : index
    %swap3A_200 = tpu.vector_load %arg6[%swap3A_199] {strides = array<i32>} : memref<640xf32, #tpu.memory_space<vmem>>, vector<16xf32>,
    %swap3A_201 = vector.shape_cast %swap3A_200 : vector<16xf32> to vector<16xf32>
    %swap3A_202 = vector.shape_cast %broadcast_in_dim3A_198 : vector<16xf32> to vector<16xf32>
    tpu.vector_store %arg6[%swap3A_199], %swap3A_202 {strides = array<i32>} : memref<640xf32, #tpu.memory_space<vmem>>, vector<16xf32>,
    %broadcast_in_dim3A_203 = arith.constant 0.000000e+00 : f32
    %broadcast_in_dim3A_204 = vector.broadcast %broadcast_in_dim3A_203 : f32 to vector<16xf32>
    %swap3A_205 = arith.constant 416 : index
    %swap3A_206 = tpu.vector_load %arg6[%swap3A_205] {strides = array<i32>} : memref<640xf32, #tpu.memory_space<vmem>>, vector<16xf32>,
    %swap3A_207 = vector.shape_cast %swap3A_206 : vector<16xf32> to vector<16xf32>
    %swap3A_208 = vector.shape_cast %broadcast_in_dim3A_204 : vector<16xf32> to vector<16xf32>
    tpu.vector_store %arg6[%swap3A_205], %swap3A_208 {strides = array<i32>} : memref<640xf32, #tpu.memory_space<vmem>>, vector<16xf32>,
    %broadcast_in_dim3A_209 = arith.constant 0.000000e+00 : f32
    %broadcast_in_dim3A_210 = vector.broadcast %broadcast_in_dim3A_209 : f32 to vector<16xf32>
    %swap3A_211 = arith.constant 432 : index
    %swap3A_212 = tpu.vector_load %arg6[%swap3A_211] {strides = array<i32>} : memref<640xf32, #tpu.memory_space<vmem>>, vector<16xf32>,
    %swap3A_213 = vector.shape_cast %swap3A_212 : vector<16xf32> to vector<16xf32>
    %swap3A_214 = vector.shape_cast %broadcast_in_dim3A_210 : vector<16xf32> to vector<16xf32>
    tpu.vector_store %arg6[%swap3A_211], %swap3A_214 {strides = array<i32>} : memref<640xf32, #tpu.memory_space<vmem>>, vector<16xf32>,
    %broadcast_in_dim3A_215 = arith.constant 0.000000e+00 : f32
    %broadcast_in_dim3A_216 = vector.broadcast %broadcast_in_dim3A_215 : f32 to vector<16xf32>
    %swap3A_217 = arith.constant 448 : index
    %swap3A_218 = tpu.vector_load %arg6[%swap3A_217] {strides = array<i32>} : memref<640xf32, #tpu.memory_space<vmem>>, vector<16xf32>,
    %swap3A_219 = vector.shape_cast %swap3A_218 : vector<16xf32> to vector<16xf32>
    %swap3A_220 = vector.shape_cast %broadcast_in_dim3A_216 : vector<16xf32> to vector<16xf32>
    tpu.vector_store %arg6[%swap3A_217], %swap3A_220 {strides = array<i32>} : memref<640xf32, #tpu.memory_space<vmem>>, vector<16xf32>,
    %broadcast_in_dim3A_221 = arith.constant 0.000000e+00 : f32
    %broadcast_in_dim3A_222 = vector.broadcast %broadcast_in_dim3A_221 : f32 to vector<16xf32>
    %swap3A_223 = arith.constant 464 : index
    %swap3A_224 = tpu.vector_load %arg6[%swap3A_223] {strides = array<i32>} : memref<640xf32, #tpu.memory_space<vmem>>, vector<16xf32>,
    %swap3A_225 = vector.shape_cast %swap3A_224 : vector<16xf32> to vector<16xf32>
    %swap3A_226 = vector.shape_cast %broadcast_in_dim3A_222 : vector<16xf32> to vector<16xf32>
    tpu.vector_store %arg6[%swap3A_223], %swap3A_226 {strides = array<i32>} : memref<640xf32, #tpu.memory_space<vmem>>, vector<16xf32>,
    %broadcast_in_dim3A_227 = arith.constant 0.000000e+00 : f32
    %broadcast_in_dim3A_228 = vector.broadcast %broadcast_in_dim3A_227 : f32 to vector<16xf32>
    %swap3A_229 = arith.constant 480 : index
    %swap3A_230 = tpu.vector_load %arg6[%swap3A_229] {strides = array<i32>} : memref<640xf32, #tpu.memory_space<vmem>>, vector<16xf32>,
    %swap3A_231 = vector.shape_cast %swap3A_230 : vector<16xf32> to vector<16xf32>
    %swap3A_232 = vector.shape_cast %broadcast_in_dim3A_228 : vector<16xf32> to vector<16xf32>
    tpu.vector_store %arg6[%swap3A_229], %swap3A_232 {strides = array<i32>} : memref<640xf32, #tpu.memory_space<vmem>>, vector<16xf32>,
    %broadcast_in_dim3A_233 = arith.constant 0.000000e+00 : f32
    %broadcast_in_dim3A_234 = vector.broadcast %broadcast_in_dim3A_233 : f32 to vector<16xf32>
    %swap3A_235 = arith.constant 496 : index
    %swap3A_236 = tpu.vector_load %arg6[%swap3A_235] {strides = array<i32>} : memref<640xf32, #tpu.memory_space<vmem>>, vector<16xf32>,
    %swap3A_237 = vector.shape_cast %swap3A_236 : vector<16xf32> to vector<16xf32>
    %swap3A_238 = vector.shape_cast %broadcast_in_dim3A_234 : vector<16xf32> to vector<16xf32>
    tpu.vector_store %arg6[%swap3A_235], %swap3A_238 {strides = array<i32>} : memref<640xf32, #tpu.memory_space<vmem>>, vector<16xf32>,
    %broadcast_in_dim3A_239 = arith.constant 0.000000e+00 : f32
    %broadcast_in_dim3A_240 = vector.broadcast %broadcast_in_dim3A_239 : f32 to vector<16xf32>
    %swap3A_241 = arith.constant 512 : index
    %swap3A_242 = tpu.vector_load %arg6[%swap3A_241] {strides = array<i32>} : memref<640xf32, #tpu.memory_space<vmem>>, vector<16xf32>,
    %swap3A_243 = vector.shape_cast %swap3A_242 : vector<16xf32> to vector<16xf32>
    %swap3A_244 = vector.shape_cast %broadcast_in_dim3A_240 : vector<16xf32> to vector<16xf32>
    tpu.vector_store %arg6[%swap3A_241], %swap3A_244 {strides = array<i32>} : memref<640xf32, #tpu.memory_space<vmem>>, vector<16xf32>,
    %broadcast_in_dim3A_245 = arith.constant 0.000000e+00 : f32
    %broadcast_in_dim3A_246 = vector.broadcast %broadcast_in_dim3A_245 : f32 to vector<16xf32>
    %swap3A_247 = arith.constant 528 : index
    %swap3A_248 = tpu.vector_load %arg6[%swap3A_247] {strides = array<i32>} : memref<640xf32, #tpu.memory_space<vmem>>, vector<16xf32>,
    %swap3A_249 = vector.shape_cast %swap3A_248 : vector<16xf32> to vector<16xf32>
    %swap3A_250 = vector.shape_cast %broadcast_in_dim3A_246 : vector<16xf32> to vector<16xf32>
    tpu.vector_store %arg6[%swap3A_247], %swap3A_250 {strides = array<i32>} : memref<640xf32, #tpu.memory_space<vmem>>, vector<16xf32>,
    %broadcast_in_dim3A_251 = arith.constant 0.000000e+00 : f32
    %broadcast_in_dim3A_252 = vector.broadcast %broadcast_in_dim3A_251 : f32 to vector<16xf32>
    %swap3A_253 = arith.constant 544 : index
    %swap3A_254 = tpu.vector_load %arg6[%swap3A_253] {strides = array<i32>} : memref<640xf32, #tpu.memory_space<vmem>>, vector<16xf32>,
    %swap3A_255 = vector.shape_cast %swap3A_254 : vector<16xf32> to vector<16xf32>
    %swap3A_256 = vector.shape_cast %broadcast_in_dim3A_252 : vector<16xf32> to vector<16xf32>
    tpu.vector_store %arg6[%swap3A_253], %swap3A_256 {strides = array<i32>} : memref<640xf32, #tpu.memory_space<vmem>>, vector<16xf32>,
    %broadcast_in_dim3A_257 = arith.constant 0.000000e+00 : f32
    %broadcast_in_dim3A_258 = vector.broadcast %broadcast_in_dim3A_257 : f32 to vector<16xf32>
    %swap3A_259 = arith.constant 560 : index
    %swap3A_260 = tpu.vector_load %arg6[%swap3A_259] {strides = array<i32>} : memref<640xf32, #tpu.memory_space<vmem>>, vector<16xf32>,
    %swap3A_261 = vector.shape_cast %swap3A_260 : vector<16xf32> to vector<16xf32>
    %swap3A_262 = vector.shape_cast %broadcast_in_dim3A_258 : vector<16xf32> to vector<16xf32>
    tpu.vector_store %arg6[%swap3A_259], %swap3A_262 {strides = array<i32>} : memref<640xf32, #tpu.memory_space<vmem>>, vector<16xf32>,
    %broadcast_in_dim3A_263 = arith.constant 0.000000e+00 : f32
    %broadcast_in_dim3A_264 = vector.broadcast %broadcast_in_dim3A_263 : f32 to vector<16xf32>
    %swap3A_265 = arith.constant 576 : index
    %swap3A_266 = tpu.vector_load %arg6[%swap3A_265] {strides = array<i32>} : memref<640xf32, #tpu.memory_space<vmem>>, vector<16xf32>,
    %swap3A_267 = vector.shape_cast %swap3A_266 : vector<16xf32> to vector<16xf32>
    %swap3A_268 = vector.shape_cast %broadcast_in_dim3A_264 : vector<16xf32> to vector<16xf32>
    tpu.vector_store %arg6[%swap3A_265], %swap3A_268 {strides = array<i32>} : memref<640xf32, #tpu.memory_space<vmem>>, vector<16xf32>,
    %broadcast_in_dim3A_269 = arith.constant 0.000000e+00 : f32
    %broadcast_in_dim3A_270 = vector.broadcast %broadcast_in_dim3A_269 : f32 to vector<16xf32>
    %swap3A_271 = arith.constant 592 : index
    %swap3A_272 = tpu.vector_load %arg6[%swap3A_271] {strides = array<i32>} : memref<640xf32, #tpu.memory_space<vmem>>, vector<16xf32>,
    %swap3A_273 = vector.shape_cast %swap3A_272 : vector<16xf32> to vector<16xf32>
    %swap3A_274 = vector.shape_cast %broadcast_in_dim3A_270 : vector<16xf32> to vector<16xf32>
    tpu.vector_store %arg6[%swap3A_271], %swap3A_274 {strides = array<i32>} : memref<640xf32, #tpu.memory_space<vmem>>, vector<16xf32>,
    %broadcast_in_dim3A_275 = arith.constant 0.000000e+00 : f32
    %broadcast_in_dim3A_276 = vector.broadcast %broadcast_in_dim3A_275 : f32 to vector<16xf32>
    %swap3A_277 = arith.constant 608 : index
    %swap3A_278 = tpu.vector_load %arg6[%swap3A_277] {strides = array<i32>} : memref<640xf32, #tpu.memory_space<vmem>>, vector<16xf32>,
    %swap3A_279 = vector.shape_cast %swap3A_278 : vector<16xf32> to vector<16xf32>
    %swap3A_280 = vector.shape_cast %broadcast_in_dim3A_276 : vector<16xf32> to vector<16xf32>
    tpu.vector_store %arg6[%swap3A_277], %swap3A_280 {strides = array<i32>} : memref<640xf32, #tpu.memory_space<vmem>>, vector<16xf32>,
    %broadcast_in_dim3A_281 = arith.constant 0.000000e+00 : f32
    %broadcast_in_dim3A_282 = vector.broadcast %broadcast_in_dim3A_281 : f32 to vector<16xf32>
    %swap3A_283 = arith.constant 624 : index
    %swap3A_284 = tpu.vector_load %arg6[%swap3A_283] {strides = array<i32>} : memref<640xf32, #tpu.memory_space<vmem>>, vector<16xf32>,
    %swap3A_285 = vector.shape_cast %swap3A_284 : vector<16xf32> to vector<16xf32>
    %swap3A_286 = vector.shape_cast %broadcast_in_dim3A_282 : vector<16xf32> to vector<16xf32>
    tpu.vector_store %arg6[%swap3A_283], %swap3A_286 {strides = array<i32>} : memref<640xf32, #tpu.memory_space<vmem>>, vector<16xf32>,
    %mul3A_287 = arith.constant 640 : i32
    %mul3A_288 = arith.muli %arg1, %mul3A_287 : i32
    "tpu.region"() ({
      %run_scoped3A = tpu.sem_alloc : memref<!tpu.dma_semaphore, #tpu.memory_space<semaphore_mem>>
      %dma_start3A = tpu.memref_slice %arg7[%mul3A_288] : memref<10240xf32, #tpu.memory_space<vmem_shared>> -> memref<640xf32, #tpu.memory_space<vmem_shared>>
      %dma_start3A_305 = tpu.memref_slice %arg7[%mul3A_288] : memref<10240xf32, #tpu.memory_space<vmem_shared>> -> memref<640xf32, #tpu.memory_space<vmem_shared>>
      tpu.enqueue_dma source(%arg6 : memref<640xf32, #tpu.memory_space<vmem>>) target(%dma_start3A_305 : memref<640xf32, #tpu.memory_space<vmem_shared>>) target_semaphore(%run_scoped3A : memref<!tpu.dma_semaphore, #tpu.memory_space<semaphore_mem>>)
      %dma_wait3A = tpu.memref_slice %arg7[%mul3A_288] : memref<10240xf32, #tpu.memory_space<vmem_shared>> -> memref<640xf32, #tpu.memory_space<vmem_shared>>
      %dma_wait3A_306 = tpu.memref_slice %arg7[%mul3A_288] : memref<10240xf32, #tpu.memory_space<vmem_shared>> -> memref<640xf32, #tpu.memory_space<vmem_shared>>
      tpu.wait_dma2 semaphore(%run_scoped3A : memref<!tpu.dma_semaphore, #tpu.memory_space<semaphore_mem>>) src(%arg6 : memref<640xf32, #tpu.memory_space<vmem>>) dst(%dma_wait3A_306 : memref<640xf32, #tpu.memory_space<vmem_shared>>)
      tpu.yield
    }) : () -> ()
    "tpu.region"() ({
      %run_scoped3A = tpu.sem_alloc : memref<!tpu.dma_semaphore, #tpu.memory_space<semaphore_mem>>
      %dma_start3A = arith.constant 0 : i32
      %dma_start3A_305 = arith.constant 0 : i32
      %dma_start3A_306 = tpu.memref_slice %arg2[%add3A, %dma_start3A, %dma_start3A_305] : memref<32x79x128xi32, #tpu.memory_space<hbm>> -> memref<1x79x128xi32, #tpu.memory_space<hbm>>
      %dma_start3A_307 = tpu.memref_squeeze %dma_start3A_306 : memref<1x79x128xi32, #tpu.memory_space<hbm>> -> memref<79x128xi32, #tpu.memory_space<hbm>>
      %dma_start3A_308 = arith.constant 0 : i32
      %dma_start3A_309 = arith.constant 0 : i32
      %dma_start3A_310 = tpu.memref_slice %arg2[%add3A, %dma_start3A_308, %dma_start3A_309] : memref<32x79x128xi32, #tpu.memory_space<hbm>> -> memref<1x79x128xi32, #tpu.memory_space<hbm>>
      %dma_start3A_311 = tpu.memref_squeeze %dma_start3A_310 : memref<1x79x128xi32, #tpu.memory_space<hbm>> -> memref<79x128xi32, #tpu.memory_space<hbm>>
      tpu.enqueue_dma source(%dma_start3A_311 : memref<79x128xi32, #tpu.memory_space<hbm>>) target(%arg4 : memref<79x128xi32, #tpu.memory_space<vmem>>) target_semaphore(%run_scoped3A : memref<!tpu.dma_semaphore, #tpu.memory_space<semaphore_mem>>)
      %dma_wait3A = arith.constant 0 : i32
      %dma_wait3A_312 = arith.constant 0 : i32
      %dma_wait3A_313 = tpu.memref_slice %arg2[%add3A, %dma_wait3A, %dma_wait3A_312] : memref<32x79x128xi32, #tpu.memory_space<hbm>> -> memref<1x79x128xi32, #tpu.memory_space<hbm>>
      %dma_wait3A_314 = tpu.memref_squeeze %dma_wait3A_313 : memref<1x79x128xi32, #tpu.memory_space<hbm>> -> memref<79x128xi32, #tpu.memory_space<hbm>>
      %dma_wait3A_315 = arith.constant 0 : i32
      %dma_wait3A_316 = arith.constant 0 : i32
      %dma_wait3A_317 = tpu.memref_slice %arg2[%add3A, %dma_wait3A_315, %dma_wait3A_316] : memref<32x79x128xi32, #tpu.memory_space<hbm>> -> memref<1x79x128xi32, #tpu.memory_space<hbm>>
      %dma_wait3A_318 = tpu.memref_squeeze %dma_wait3A_317 : memref<1x79x128xi32, #tpu.memory_space<hbm>> -> memref<79x128xi32, #tpu.memory_space<hbm>>
      tpu.wait_dma2 semaphore(%run_scoped3A : memref<!tpu.dma_semaphore, #tpu.memory_space<semaphore_mem>>) src(%dma_wait3A_318 : memref<79x128xi32, #tpu.memory_space<hbm>>) dst(%arg4 : memref<79x128xi32, #tpu.memory_space<vmem>>)
      tpu.yield
    }) : () -> ()
    %barrier3A = arith.constant 0 : index
    tpu.barrier barrier_id(%barrier3A)
    %scan3A = arith.constant 0 : i32
    %scan3A_289 = arith.constant 0 : i32
    %scan3A_290 = arith.constant 79 : i32
    %scan3A_291 = arith.addi %scan3A_289, %scan3A_290 : i32
    %scan3A_292 = arith.constant 1 : i32
    scf.for %scan3A_305 = %scan3A_289 to %scan3A_291 step %scan3A_292  : i32 {
      %dma_start3A = arith.constant 0 : i32
      %dma_start3A_306 = tpu.memref_slice %arg4[%scan3A_305, %dma_start3A] : memref<79x128xi32, #tpu.memory_space<vmem>> -> memref<1x128xi32, #tpu.memory_space<vmem>>
      %dma_start3A_307 = tpu.memref_squeeze %dma_start3A_306 : memref<1x128xi32, #tpu.memory_space<vmem>> -> memref<128xi32, #tpu.memory_space<vmem>>
      %dma_start3A_308 = arith.constant 0 : i32
      %dma_start3A_309 = tpu.memref_slice %arg7[%dma_start3A_308] : memref<10240xf32, #tpu.memory_space<vmem_shared>> -> memref<10240xf32, #tpu.memory_space<vmem_shared>>
      tpu.enqueue_indirect_dma source(%arg5 : memref<128xf32, #tpu.memory_space<vmem>>) target(%dma_start3A_309 : memref<10240xf32, #tpu.memory_space<vmem_shared>>) offsets(%dma_start3A_307 : memref<128xi32, #tpu.memory_space<vmem>>) semaphore(%arg8 : memref<!tpu.dma_semaphore, #tpu.memory_space<semaphore_mem>>) {add = true}
    }
    %scan3A_293 = arith.constant 79 : i32
    %scan3A_294 = arith.constant 0 : i32
    %scan3A_295 = arith.constant 0 : i32
    %scan3A_296 = arith.constant 79 : i32
    %scan3A_297 = arith.addi %scan3A_295, %scan3A_296 : i32
    %scan3A_298 = arith.constant 1 : i32
    scf.for %scan3A_305 = %scan3A_295 to %scan3A_297 step %scan3A_298  : i32 {
      %dma_wait3A = arith.constant 0 : i32
      %dma_wait3A_306 = tpu.memref_slice %arg4[%scan3A_305, %dma_wait3A] : memref<79x128xi32, #tpu.memory_space<vmem>> -> memref<1x128xi32, #tpu.memory_space<vmem>>
      %dma_wait3A_307 = tpu.memref_squeeze %dma_wait3A_306 : memref<1x128xi32, #tpu.memory_space<vmem>> -> memref<128xi32, #tpu.memory_space<vmem>>
      %dma_wait3A_308 = arith.constant 0 : i32
      %dma_wait3A_309 = tpu.memref_slice %arg7[%dma_wait3A_308] : memref<10240xf32, #tpu.memory_space<vmem_shared>> -> memref<10240xf32, #tpu.memory_space<vmem_shared>>
      tpu.wait_indirect_dma semaphore(%arg8 : memref<!tpu.dma_semaphore, #tpu.memory_space<semaphore_mem>>) src(%arg5 : memref<128xf32, #tpu.memory_space<vmem>>) dst(%dma_wait3A_309 : memref<10240xf32, #tpu.memory_space<vmem_shared>>)
    }
    %scan3A_299 = arith.constant 79 : i32
    %barrier3A_300 = arith.constant 0 : index
    tpu.barrier barrier_id(%barrier3A_300)
    %mul3A_301 = arith.constant 640 : i32
    %mul3A_302 = arith.muli %arg1, %mul3A_301 : i32
    %mul3A_303 = arith.constant 640 : i32
    %mul3A_304 = arith.muli %arg1, %mul3A_303 : i32
    "tpu.region"() ({
      %run_scoped3A = tpu.sem_alloc : memref<!tpu.dma_semaphore, #tpu.memory_space<semaphore_mem>>
      %dma_start3A = tpu.memref_slice %arg3[%arg0, %mul3A_304] : memref<2x10240xf32, #tpu.memory_space<hbm>> -> memref<1x640xf32, #tpu.memory_space<hbm>>
      %dma_start3A_305 = tpu.memref_squeeze %dma_start3A : memref<1x640xf32, #tpu.memory_space<hbm>> -> memref<640xf32, #tpu.memory_space<hbm>>
      %dma_start3A_306 = tpu.memref_slice %arg7[%mul3A_302] : memref<10240xf32, #tpu.memory_space<vmem_shared>> -> memref<640xf32, #tpu.memory_space<vmem_shared>>
      tpu.enqueue_dma source(%dma_start3A_306 : memref<640xf32, #tpu.memory_space<vmem_shared>>) target(%dma_start3A_305 : memref<640xf32, #tpu.memory_space<hbm>>) target_semaphore(%run_scoped3A : memref<!tpu.dma_semaphore, #tpu.memory_space<semaphore_mem>>)
      %dma_wait3A = tpu.memref_slice %arg3[%arg0, %mul3A_304] : memref<2x10240xf32, #tpu.memory_space<hbm>> -> memref<1x640xf32, #tpu.memory_space<hbm>>
      %dma_wait3A_307 = tpu.memref_squeeze %dma_wait3A : memref<1x640xf32, #tpu.memory_space<hbm>> -> memref<640xf32, #tpu.memory_space<hbm>>
      %dma_wait3A_308 = tpu.memref_slice %arg7[%mul3A_302] : memref<10240xf32, #tpu.memory_space<vmem_shared>> -> memref<640xf32, #tpu.memory_space<vmem_shared>>
      tpu.wait_dma2 semaphore(%run_scoped3A : memref<!tpu.dma_semaphore, #tpu.memory_space<semaphore_mem>>) src(%dma_wait3A_308 : memref<640xf32, #tpu.memory_space<vmem_shared>>) dst(%dma_wait3A_307 : memref<640xf32, #tpu.memory_space<hbm>>)
      tpu.yield
    }) : () -> ()
    return
  }
}

#map = affine_map<(d0, d1) -> (0, 0, 0)>
#map1 = affine_map<(d0, d1) -> (0)>
#map2 = affine_map<(d0, d1) -> (0, 0)>
module attributes {stable_mosaic.version = 14 : i64} {
  func.func @_msg_kernel(%arg0: i32, %arg1: i32, %arg2: memref<32x79x128xi32, #tpu.memory_space<hbm>>, %arg3: memref<323584xi32, #tpu.memory_space<hbm>>, %arg4: memref<10240x128xf32, #tpu.memory_space<hbm>>, %arg5: memref<2x10240x128xf32, #tpu.memory_space<hbm>>, %arg6: memref<79x128xi32, #tpu.memory_space<vmem>>, %arg7: memref<128xi32, #tpu.memory_space<vmem>>, %arg8: memref<128xi32, #tpu.memory_space<vmem>>, %arg9: memref<128x128xf32, #tpu.memory_space<vmem>>, %arg10: memref<128x128xf32, #tpu.memory_space<vmem>>, %arg11: memref<!tpu.dma_semaphore, #tpu.memory_space<semaphore_mem>>, %arg12: memref<!tpu.dma_semaphore, #tpu.memory_space<semaphore_mem>>, %arg13: memref<!tpu.dma_semaphore, #tpu.memory_space<semaphore_mem>>, %arg14: memref<!tpu.dma_semaphore, #tpu.memory_space<semaphore_mem>>, %arg15: memref<10240x128xf32, #tpu.memory_space<vmem_shared>>) attributes {dimension_semantics = [#tpu.dimension_semantics<core_parallel>, #tpu.dimension_semantics<subcore_parallel>], iteration_bounds = array<i64: 2, 16>, scalar_prefetch = 0 : i64, scratch_operands = 10 : i64, tpu.core_type = #tpu.core_type<sc_vector_subcore>, window_params = [{transform_indices = #map}, {transform_indices = #map1}, {transform_indices = #map2}, {transform_indices = #map}]} {
    %mul3A = arith.constant 16 : i32
    %mul3A_0 = arith.muli %arg0, %mul3A : i32
    %add3A = arith.addi %mul3A_0, %arg1 : i32
    %scan3A = arith.constant 0 : i32
    %scan3A_1 = arith.constant 0 : i32
    %scan3A_2 = arith.constant 128 : i32
    %scan3A_3 = arith.addi %scan3A_1, %scan3A_2 : i32
    %scan3A_4 = arith.constant 1 : i32
    scf.for %scan3A_72 = %scan3A_1 to %scan3A_3 step %scan3A_4  : i32 {
      %broadcast_in_dim3A = arith.constant 0.000000e+00 : f32
      %broadcast_in_dim3A_73 = vector.broadcast %broadcast_in_dim3A : f32 to vector<16xf32>
      %swap3A = arith.index_cast %scan3A_72 : i32 to index
      %swap3A_74 = arith.constant 0 : index
      %swap3A_75 = tpu.vector_load %arg9[%swap3A, %swap3A_74] {strides = array<i32>} : memref<128x128xf32, #tpu.memory_space<vmem>>, vector<1x16xf32>,
      %swap3A_76 = vector.shape_cast %swap3A_75 : vector<1x16xf32> to vector<16xf32>
      %swap3A_77 = vector.shape_cast %broadcast_in_dim3A_73 : vector<16xf32> to vector<1x16xf32>
      tpu.vector_store %arg9[%swap3A, %swap3A_74], %swap3A_77 {strides = array<i32>} : memref<128x128xf32, #tpu.memory_space<vmem>>, vector<1x16xf32>,
      %broadcast_in_dim3A_78 = arith.constant 0.000000e+00 : f32
      %broadcast_in_dim3A_79 = vector.broadcast %broadcast_in_dim3A_78 : f32 to vector<16xf32>
      %swap3A_80 = arith.index_cast %scan3A_72 : i32 to index
      %swap3A_81 = arith.constant 16 : index
      %swap3A_82 = tpu.vector_load %arg9[%swap3A_80, %swap3A_81] {strides = array<i32>} : memref<128x128xf32, #tpu.memory_space<vmem>>, vector<1x16xf32>,
      %swap3A_83 = vector.shape_cast %swap3A_82 : vector<1x16xf32> to vector<16xf32>
      %swap3A_84 = vector.shape_cast %broadcast_in_dim3A_79 : vector<16xf32> to vector<1x16xf32>
      tpu.vector_store %arg9[%swap3A_80, %swap3A_81], %swap3A_84 {strides = array<i32>} : memref<128x128xf32, #tpu.memory_space<vmem>>, vector<1x16xf32>,
      %broadcast_in_dim3A_85 = arith.constant 0.000000e+00 : f32
      %broadcast_in_dim3A_86 = vector.broadcast %broadcast_in_dim3A_85 : f32 to vector<16xf32>
      %swap3A_87 = arith.index_cast %scan3A_72 : i32 to index
      %swap3A_88 = arith.constant 32 : index
      %swap3A_89 = tpu.vector_load %arg9[%swap3A_87, %swap3A_88] {strides = array<i32>} : memref<128x128xf32, #tpu.memory_space<vmem>>, vector<1x16xf32>,
      %swap3A_90 = vector.shape_cast %swap3A_89 : vector<1x16xf32> to vector<16xf32>
      %swap3A_91 = vector.shape_cast %broadcast_in_dim3A_86 : vector<16xf32> to vector<1x16xf32>
      tpu.vector_store %arg9[%swap3A_87, %swap3A_88], %swap3A_91 {strides = array<i32>} : memref<128x128xf32, #tpu.memory_space<vmem>>, vector<1x16xf32>,
      %broadcast_in_dim3A_92 = arith.constant 0.000000e+00 : f32
      %broadcast_in_dim3A_93 = vector.broadcast %broadcast_in_dim3A_92 : f32 to vector<16xf32>
      %swap3A_94 = arith.index_cast %scan3A_72 : i32 to index
      %swap3A_95 = arith.constant 48 : index
      %swap3A_96 = tpu.vector_load %arg9[%swap3A_94, %swap3A_95] {strides = array<i32>} : memref<128x128xf32, #tpu.memory_space<vmem>>, vector<1x16xf32>,
      %swap3A_97 = vector.shape_cast %swap3A_96 : vector<1x16xf32> to vector<16xf32>
      %swap3A_98 = vector.shape_cast %broadcast_in_dim3A_93 : vector<16xf32> to vector<1x16xf32>
      tpu.vector_store %arg9[%swap3A_94, %swap3A_95], %swap3A_98 {strides = array<i32>} : memref<128x128xf32, #tpu.memory_space<vmem>>, vector<1x16xf32>,
      %broadcast_in_dim3A_99 = arith.constant 0.000000e+00 : f32
      %broadcast_in_dim3A_100 = vector.broadcast %broadcast_in_dim3A_99 : f32 to vector<16xf32>
      %swap3A_101 = arith.index_cast %scan3A_72 : i32 to index
      %swap3A_102 = arith.constant 64 : index
      %swap3A_103 = tpu.vector_load %arg9[%swap3A_101, %swap3A_102] {strides = array<i32>} : memref<128x128xf32, #tpu.memory_space<vmem>>, vector<1x16xf32>,
      %swap3A_104 = vector.shape_cast %swap3A_103 : vector<1x16xf32> to vector<16xf32>
      %swap3A_105 = vector.shape_cast %broadcast_in_dim3A_100 : vector<16xf32> to vector<1x16xf32>
      tpu.vector_store %arg9[%swap3A_101, %swap3A_102], %swap3A_105 {strides = array<i32>} : memref<128x128xf32, #tpu.memory_space<vmem>>, vector<1x16xf32>,
      %broadcast_in_dim3A_106 = arith.constant 0.000000e+00 : f32
      %broadcast_in_dim3A_107 = vector.broadcast %broadcast_in_dim3A_106 : f32 to vector<16xf32>
      %swap3A_108 = arith.index_cast %scan3A_72 : i32 to index
      %swap3A_109 = arith.constant 80 : index
      %swap3A_110 = tpu.vector_load %arg9[%swap3A_108, %swap3A_109] {strides = array<i32>} : memref<128x128xf32, #tpu.memory_space<vmem>>, vector<1x16xf32>,
      %swap3A_111 = vector.shape_cast %swap3A_110 : vector<1x16xf32> to vector<16xf32>
      %swap3A_112 = vector.shape_cast %broadcast_in_dim3A_107 : vector<16xf32> to vector<1x16xf32>
      tpu.vector_store %arg9[%swap3A_108, %swap3A_109], %swap3A_112 {strides = array<i32>} : memref<128x128xf32, #tpu.memory_space<vmem>>, vector<1x16xf32>,
      %broadcast_in_dim3A_113 = arith.constant 0.000000e+00 : f32
      %broadcast_in_dim3A_114 = vector.broadcast %broadcast_in_dim3A_113 : f32 to vector<16xf32>
      %swap3A_115 = arith.index_cast %scan3A_72 : i32 to index
      %swap3A_116 = arith.constant 96 : index
      %swap3A_117 = tpu.vector_load %arg9[%swap3A_115, %swap3A_116] {strides = array<i32>} : memref<128x128xf32, #tpu.memory_space<vmem>>, vector<1x16xf32>,
      %swap3A_118 = vector.shape_cast %swap3A_117 : vector<1x16xf32> to vector<16xf32>
      %swap3A_119 = vector.shape_cast %broadcast_in_dim3A_114 : vector<16xf32> to vector<1x16xf32>
      tpu.vector_store %arg9[%swap3A_115, %swap3A_116], %swap3A_119 {strides = array<i32>} : memref<128x128xf32, #tpu.memory_space<vmem>>, vector<1x16xf32>,
      %broadcast_in_dim3A_120 = arith.constant 0.000000e+00 : f32
      %broadcast_in_dim3A_121 = vector.broadcast %broadcast_in_dim3A_120 : f32 to vector<16xf32>
      %swap3A_122 = arith.index_cast %scan3A_72 : i32 to index
      %swap3A_123 = arith.constant 112 : index
      %swap3A_124 = tpu.vector_load %arg9[%swap3A_122, %swap3A_123] {strides = array<i32>} : memref<128x128xf32, #tpu.memory_space<vmem>>, vector<1x16xf32>,
      %swap3A_125 = vector.shape_cast %swap3A_124 : vector<1x16xf32> to vector<16xf32>
      %swap3A_126 = vector.shape_cast %broadcast_in_dim3A_121 : vector<16xf32> to vector<1x16xf32>
      tpu.vector_store %arg9[%swap3A_122, %swap3A_123], %swap3A_126 {strides = array<i32>} : memref<128x128xf32, #tpu.memory_space<vmem>>, vector<1x16xf32>,
    }
    %scan3A_5 = arith.constant 128 : i32
    %mul3A_6 = arith.constant 640 : i32
    %mul3A_7 = arith.muli %arg1, %mul3A_6 : i32
    %add3A_8 = arith.constant 0 : i32
    %add3A_9 = arith.addi %mul3A_7, %add3A_8 : i32
    "tpu.region"() ({
      %run_scoped3A = tpu.sem_alloc : memref<!tpu.dma_semaphore, #tpu.memory_space<semaphore_mem>>
      %dma_start3A_72 = arith.constant 0 : i32
      %dma_start3A_73 = tpu.memref_slice %arg15[%add3A_9, %dma_start3A_72] : memref<10240x128xf32, #tpu.memory_space<vmem_shared>> -> memref<128x128xf32, #tpu.memory_space<vmem_shared>>
      %dma_start3A_74 = arith.constant 0 : i32
      %dma_start3A_75 = tpu.memref_slice %arg15[%add3A_9, %dma_start3A_74] : memref<10240x128xf32, #tpu.memory_space<vmem_shared>> -> memref<128x128xf32, #tpu.memory_space<vmem_shared>>
      tpu.enqueue_dma source(%arg9 : memref<128x128xf32, #tpu.memory_space<vmem>>) target(%dma_start3A_75 : memref<128x128xf32, #tpu.memory_space<vmem_shared>>) target_semaphore(%run_scoped3A : memref<!tpu.dma_semaphore, #tpu.memory_space<semaphore_mem>>)
      %dma_wait3A_76 = arith.constant 0 : i32
      %dma_wait3A_77 = tpu.memref_slice %arg15[%add3A_9, %dma_wait3A_76] : memref<10240x128xf32, #tpu.memory_space<vmem_shared>> -> memref<128x128xf32, #tpu.memory_space<vmem_shared>>
      %dma_wait3A_78 = arith.constant 0 : i32
      %dma_wait3A_79 = tpu.memref_slice %arg15[%add3A_9, %dma_wait3A_78] : memref<10240x128xf32, #tpu.memory_space<vmem_shared>> -> memref<128x128xf32, #tpu.memory_space<vmem_shared>>
      tpu.wait_dma2 semaphore(%run_scoped3A : memref<!tpu.dma_semaphore, #tpu.memory_space<semaphore_mem>>) src(%arg9 : memref<128x128xf32, #tpu.memory_space<vmem>>) dst(%dma_wait3A_79 : memref<128x128xf32, #tpu.memory_space<vmem_shared>>)
      tpu.yield
    }) : () -> ()
    %mul3A_10 = arith.constant 640 : i32
    %mul3A_11 = arith.muli %arg1, %mul3A_10 : i32
    %add3A_12 = arith.constant 128 : i32
    %add3A_13 = arith.addi %mul3A_11, %add3A_12 : i32
    "tpu.region"() ({
      %run_scoped3A = tpu.sem_alloc : memref<!tpu.dma_semaphore, #tpu.memory_space<semaphore_mem>>
      %dma_start3A_72 = arith.constant 0 : i32
      %dma_start3A_73 = tpu.memref_slice %arg15[%add3A_13, %dma_start3A_72] : memref<10240x128xf32, #tpu.memory_space<vmem_shared>> -> memref<128x128xf32, #tpu.memory_space<vmem_shared>>
      %dma_start3A_74 = arith.constant 0 : i32
      %dma_start3A_75 = tpu.memref_slice %arg15[%add3A_13, %dma_start3A_74] : memref<10240x128xf32, #tpu.memory_space<vmem_shared>> -> memref<128x128xf32, #tpu.memory_space<vmem_shared>>
      tpu.enqueue_dma source(%arg9 : memref<128x128xf32, #tpu.memory_space<vmem>>) target(%dma_start3A_75 : memref<128x128xf32, #tpu.memory_space<vmem_shared>>) target_semaphore(%run_scoped3A : memref<!tpu.dma_semaphore, #tpu.memory_space<semaphore_mem>>)
      %dma_wait3A_76 = arith.constant 0 : i32
      %dma_wait3A_77 = tpu.memref_slice %arg15[%add3A_13, %dma_wait3A_76] : memref<10240x128xf32, #tpu.memory_space<vmem_shared>> -> memref<128x128xf32, #tpu.memory_space<vmem_shared>>
      %dma_wait3A_78 = arith.constant 0 : i32
      %dma_wait3A_79 = tpu.memref_slice %arg15[%add3A_13, %dma_wait3A_78] : memref<10240x128xf32, #tpu.memory_space<vmem_shared>> -> memref<128x128xf32, #tpu.memory_space<vmem_shared>>
      tpu.wait_dma2 semaphore(%run_scoped3A : memref<!tpu.dma_semaphore, #tpu.memory_space<semaphore_mem>>) src(%arg9 : memref<128x128xf32, #tpu.memory_space<vmem>>) dst(%dma_wait3A_79 : memref<128x128xf32, #tpu.memory_space<vmem_shared>>)
      tpu.yield
    }) : () -> ()
    %mul3A_14 = arith.constant 640 : i32
    %mul3A_15 = arith.muli %arg1, %mul3A_14 : i32
    %add3A_16 = arith.constant 256 : i32
    %add3A_17 = arith.addi %mul3A_15, %add3A_16 : i32
    "tpu.region"() ({
      %run_scoped3A = tpu.sem_alloc : memref<!tpu.dma_semaphore, #tpu.memory_space<semaphore_mem>>
      %dma_start3A_72 = arith.constant 0 : i32
      %dma_start3A_73 = tpu.memref_slice %arg15[%add3A_17, %dma_start3A_72] : memref<10240x128xf32, #tpu.memory_space<vmem_shared>> -> memref<128x128xf32, #tpu.memory_space<vmem_shared>>
      %dma_start3A_74 = arith.constant 0 : i32
      %dma_start3A_75 = tpu.memref_slice %arg15[%add3A_17, %dma_start3A_74] : memref<10240x128xf32, #tpu.memory_space<vmem_shared>> -> memref<128x128xf32, #tpu.memory_space<vmem_shared>>
      tpu.enqueue_dma source(%arg9 : memref<128x128xf32, #tpu.memory_space<vmem>>) target(%dma_start3A_75 : memref<128x128xf32, #tpu.memory_space<vmem_shared>>) target_semaphore(%run_scoped3A : memref<!tpu.dma_semaphore, #tpu.memory_space<semaphore_mem>>)
      %dma_wait3A_76 = arith.constant 0 : i32
      %dma_wait3A_77 = tpu.memref_slice %arg15[%add3A_17, %dma_wait3A_76] : memref<10240x128xf32, #tpu.memory_space<vmem_shared>> -> memref<128x128xf32, #tpu.memory_space<vmem_shared>>
      %dma_wait3A_78 = arith.constant 0 : i32
      %dma_wait3A_79 = tpu.memref_slice %arg15[%add3A_17, %dma_wait3A_78] : memref<10240x128xf32, #tpu.memory_space<vmem_shared>> -> memref<128x128xf32, #tpu.memory_space<vmem_shared>>
      tpu.wait_dma2 semaphore(%run_scoped3A : memref<!tpu.dma_semaphore, #tpu.memory_space<semaphore_mem>>) src(%arg9 : memref<128x128xf32, #tpu.memory_space<vmem>>) dst(%dma_wait3A_79 : memref<128x128xf32, #tpu.memory_space<vmem_shared>>)
      tpu.yield
    }) : () -> ()
    %mul3A_18 = arith.constant 640 : i32
    %mul3A_19 = arith.muli %arg1, %mul3A_18 : i32
    %add3A_20 = arith.constant 384 : i32
    %add3A_21 = arith.addi %mul3A_19, %add3A_20 : i32
    "tpu.region"() ({
      %run_scoped3A = tpu.sem_alloc : memref<!tpu.dma_semaphore, #tpu.memory_space<semaphore_mem>>
      %dma_start3A_72 = arith.constant 0 : i32
      %dma_start3A_73 = tpu.memref_slice %arg15[%add3A_21, %dma_start3A_72] : memref<10240x128xf32, #tpu.memory_space<vmem_shared>> -> memref<128x128xf32, #tpu.memory_space<vmem_shared>>
      %dma_start3A_74 = arith.constant 0 : i32
      %dma_start3A_75 = tpu.memref_slice %arg15[%add3A_21, %dma_start3A_74] : memref<10240x128xf32, #tpu.memory_space<vmem_shared>> -> memref<128x128xf32, #tpu.memory_space<vmem_shared>>
      tpu.enqueue_dma source(%arg9 : memref<128x128xf32, #tpu.memory_space<vmem>>) target(%dma_start3A_75 : memref<128x128xf32, #tpu.memory_space<vmem_shared>>) target_semaphore(%run_scoped3A : memref<!tpu.dma_semaphore, #tpu.memory_space<semaphore_mem>>)
      %dma_wait3A_76 = arith.constant 0 : i32
      %dma_wait3A_77 = tpu.memref_slice %arg15[%add3A_21, %dma_wait3A_76] : memref<10240x128xf32, #tpu.memory_space<vmem_shared>> -> memref<128x128xf32, #tpu.memory_space<vmem_shared>>
      %dma_wait3A_78 = arith.constant 0 : i32
      %dma_wait3A_79 = tpu.memref_slice %arg15[%add3A_21, %dma_wait3A_78] : memref<10240x128xf32, #tpu.memory_space<vmem_shared>> -> memref<128x128xf32, #tpu.memory_space<vmem_shared>>
      tpu.wait_dma2 semaphore(%run_scoped3A : memref<!tpu.dma_semaphore, #tpu.memory_space<semaphore_mem>>) src(%arg9 : memref<128x128xf32, #tpu.memory_space<vmem>>) dst(%dma_wait3A_79 : memref<128x128xf32, #tpu.memory_space<vmem_shared>>)
      tpu.yield
    }) : () -> ()
    %mul3A_22 = arith.constant 640 : i32
    %mul3A_23 = arith.muli %arg1, %mul3A_22 : i32
    %add3A_24 = arith.constant 512 : i32
    %add3A_25 = arith.addi %mul3A_23, %add3A_24 : i32
    "tpu.region"() ({
      %run_scoped3A = tpu.sem_alloc : memref<!tpu.dma_semaphore, #tpu.memory_space<semaphore_mem>>
      %dma_start3A_72 = arith.constant 0 : i32
      %dma_start3A_73 = tpu.memref_slice %arg15[%add3A_25, %dma_start3A_72] : memref<10240x128xf32, #tpu.memory_space<vmem_shared>> -> memref<128x128xf32, #tpu.memory_space<vmem_shared>>
      %dma_start3A_74 = arith.constant 0 : i32
      %dma_start3A_75 = tpu.memref_slice %arg15[%add3A_25, %dma_start3A_74] : memref<10240x128xf32, #tpu.memory_space<vmem_shared>> -> memref<128x128xf32, #tpu.memory_space<vmem_shared>>
      tpu.enqueue_dma source(%arg9 : memref<128x128xf32, #tpu.memory_space<vmem>>) target(%dma_start3A_75 : memref<128x128xf32, #tpu.memory_space<vmem_shared>>) target_semaphore(%run_scoped3A : memref<!tpu.dma_semaphore, #tpu.memory_space<semaphore_mem>>)
      %dma_wait3A_76 = arith.constant 0 : i32
      %dma_wait3A_77 = tpu.memref_slice %arg15[%add3A_25, %dma_wait3A_76] : memref<10240x128xf32, #tpu.memory_space<vmem_shared>> -> memref<128x128xf32, #tpu.memory_space<vmem_shared>>
      %dma_wait3A_78 = arith.constant 0 : i32
      %dma_wait3A_79 = tpu.memref_slice %arg15[%add3A_25, %dma_wait3A_78] : memref<10240x128xf32, #tpu.memory_space<vmem_shared>> -> memref<128x128xf32, #tpu.memory_space<vmem_shared>>
      tpu.wait_dma2 semaphore(%run_scoped3A : memref<!tpu.dma_semaphore, #tpu.memory_space<semaphore_mem>>) src(%arg9 : memref<128x128xf32, #tpu.memory_space<vmem>>) dst(%dma_wait3A_79 : memref<128x128xf32, #tpu.memory_space<vmem_shared>>)
      tpu.yield
    }) : () -> ()
    "tpu.region"() ({
      %run_scoped3A = tpu.sem_alloc : memref<!tpu.dma_semaphore, #tpu.memory_space<semaphore_mem>>
      %dma_start3A_72 = arith.constant 0 : i32
      %dma_start3A_73 = arith.constant 0 : i32
      %dma_start3A_74 = tpu.memref_slice %arg2[%add3A, %dma_start3A_72, %dma_start3A_73] : memref<32x79x128xi32, #tpu.memory_space<hbm>> -> memref<1x79x128xi32, #tpu.memory_space<hbm>>
      %dma_start3A_75 = tpu.memref_squeeze %dma_start3A_74 : memref<1x79x128xi32, #tpu.memory_space<hbm>> -> memref<79x128xi32, #tpu.memory_space<hbm>>
      %dma_start3A_76 = arith.constant 0 : i32
      %dma_start3A_77 = arith.constant 0 : i32
      %dma_start3A_78 = tpu.memref_slice %arg2[%add3A, %dma_start3A_76, %dma_start3A_77] : memref<32x79x128xi32, #tpu.memory_space<hbm>> -> memref<1x79x128xi32, #tpu.memory_space<hbm>>
      %dma_start3A_79 = tpu.memref_squeeze %dma_start3A_78 : memref<1x79x128xi32, #tpu.memory_space<hbm>> -> memref<79x128xi32, #tpu.memory_space<hbm>>
      tpu.enqueue_dma source(%dma_start3A_79 : memref<79x128xi32, #tpu.memory_space<hbm>>) target(%arg6 : memref<79x128xi32, #tpu.memory_space<vmem>>) target_semaphore(%run_scoped3A : memref<!tpu.dma_semaphore, #tpu.memory_space<semaphore_mem>>)
      %dma_wait3A_80 = arith.constant 0 : i32
      %dma_wait3A_81 = arith.constant 0 : i32
      %dma_wait3A_82 = tpu.memref_slice %arg2[%add3A, %dma_wait3A_80, %dma_wait3A_81] : memref<32x79x128xi32, #tpu.memory_space<hbm>> -> memref<1x79x128xi32, #tpu.memory_space<hbm>>
      %dma_wait3A_83 = tpu.memref_squeeze %dma_wait3A_82 : memref<1x79x128xi32, #tpu.memory_space<hbm>> -> memref<79x128xi32, #tpu.memory_space<hbm>>
      %dma_wait3A_84 = arith.constant 0 : i32
      %dma_wait3A_85 = arith.constant 0 : i32
      %dma_wait3A_86 = tpu.memref_slice %arg2[%add3A, %dma_wait3A_84, %dma_wait3A_85] : memref<32x79x128xi32, #tpu.memory_space<hbm>> -> memref<1x79x128xi32, #tpu.memory_space<hbm>>
      %dma_wait3A_87 = tpu.memref_squeeze %dma_wait3A_86 : memref<1x79x128xi32, #tpu.memory_space<hbm>> -> memref<79x128xi32, #tpu.memory_space<hbm>>
      tpu.wait_dma2 semaphore(%run_scoped3A : memref<!tpu.dma_semaphore, #tpu.memory_space<semaphore_mem>>) src(%dma_wait3A_87 : memref<79x128xi32, #tpu.memory_space<hbm>>) dst(%arg6 : memref<79x128xi32, #tpu.memory_space<vmem>>)
      tpu.yield
    }) : () -> ()
    %barrier3A = arith.constant 0 : index
    tpu.barrier barrier_id(%barrier3A)
    %mul3A_26 = arith.constant 10112 : i32
    %mul3A_27 = arith.muli %add3A, %mul3A_26 : i32
    %dma_start3A = arith.constant 0 : i32
    %dma_start3A_28 = arith.constant 0 : i32
    %dma_start3A_29 = tpu.memref_slice %arg6[%dma_start3A, %dma_start3A_28] : memref<79x128xi32, #tpu.memory_space<vmem>> -> memref<1x128xi32, #tpu.memory_space<vmem>>
    %dma_start3A_30 = tpu.memref_squeeze %dma_start3A_29 : memref<1x128xi32, #tpu.memory_space<vmem>> -> memref<128xi32, #tpu.memory_space<vmem>>
    %dma_start3A_31 = arith.constant 0 : i32
    %dma_start3A_32 = arith.constant 0 : i32
    %dma_start3A_33 = tpu.memref_slice %arg4[%dma_start3A_31, %dma_start3A_32] : memref<10240x128xf32, #tpu.memory_space<hbm>> -> memref<10240x128xf32, #tpu.memory_space<hbm>>
    tpu.enqueue_indirect_dma source(%dma_start3A_33 : memref<10240x128xf32, #tpu.memory_space<hbm>>) target(%arg9 : memref<128x128xf32, #tpu.memory_space<vmem>>) offsets(%dma_start3A_30 : memref<128xi32, #tpu.memory_space<vmem>>) semaphore(%arg11 : memref<!tpu.dma_semaphore, #tpu.memory_space<semaphore_mem>>)
    %add3A_34 = arith.constant 0 : i32
    %add3A_35 = arith.addi %mul3A_27, %add3A_34 : i32
    %multiple_of3A = tpu.assume_multiple %add3A_35, 8 : i32
    %dma_start3A_36 = tpu.memref_slice %arg3[%multiple_of3A] : memref<323584xi32, #tpu.memory_space<hbm>> -> memref<128xi32, #tpu.memory_space<hbm>>
    %dma_start3A_37 = tpu.memref_slice %arg3[%multiple_of3A] : memref<323584xi32, #tpu.memory_space<hbm>> -> memref<128xi32, #tpu.memory_space<hbm>>
    tpu.enqueue_dma source(%dma_start3A_37 : memref<128xi32, #tpu.memory_space<hbm>>) target(%arg7 : memref<128xi32, #tpu.memory_space<vmem>>) target_semaphore(%arg13 : memref<!tpu.dma_semaphore, #tpu.memory_space<semaphore_mem>>)
    %dma_start3A_38 = arith.constant 1 : i32
    %dma_start3A_39 = arith.constant 0 : i32
    %dma_start3A_40 = tpu.memref_slice %arg6[%dma_start3A_38, %dma_start3A_39] : memref<79x128xi32, #tpu.memory_space<vmem>> -> memref<1x128xi32, #tpu.memory_space<vmem>>
    %dma_start3A_41 = tpu.memref_squeeze %dma_start3A_40 : memref<1x128xi32, #tpu.memory_space<vmem>> -> memref<128xi32, #tpu.memory_space<vmem>>
    %dma_start3A_42 = arith.constant 0 : i32
    %dma_start3A_43 = arith.constant 0 : i32
    %dma_start3A_44 = tpu.memref_slice %arg4[%dma_start3A_42, %dma_start3A_43] : memref<10240x128xf32, #tpu.memory_space<hbm>> -> memref<10240x128xf32, #tpu.memory_space<hbm>>
    tpu.enqueue_indirect_dma source(%dma_start3A_44 : memref<10240x128xf32, #tpu.memory_space<hbm>>) target(%arg10 : memref<128x128xf32, #tpu.memory_space<vmem>>) offsets(%dma_start3A_41 : memref<128xi32, #tpu.memory_space<vmem>>) semaphore(%arg12 : memref<!tpu.dma_semaphore, #tpu.memory_space<semaphore_mem>>)
    %add3A_45 = arith.constant 128 : i32
    %add3A_46 = arith.addi %mul3A_27, %add3A_45 : i32
    %multiple_of3A_47 = tpu.assume_multiple %add3A_46, 8 : i32
    %dma_start3A_48 = tpu.memref_slice %arg3[%multiple_of3A_47] : memref<323584xi32, #tpu.memory_space<hbm>> -> memref<128xi32, #tpu.memory_space<hbm>>
    %dma_start3A_49 = tpu.memref_slice %arg3[%multiple_of3A_47] : memref<323584xi32, #tpu.memory_space<hbm>> -> memref<128xi32, #tpu.memory_space<hbm>>
    tpu.enqueue_dma source(%dma_start3A_49 : memref<128xi32, #tpu.memory_space<hbm>>) target(%arg8 : memref<128xi32, #tpu.memory_space<vmem>>) target_semaphore(%arg14 : memref<!tpu.dma_semaphore, #tpu.memory_space<semaphore_mem>>)
    %scan3A_50 = arith.constant 0 : i32
    %scan3A_51 = arith.constant 0 : i32
    %scan3A_52 = arith.constant 39 : i32
    %scan3A_53 = arith.addi %scan3A_51, %scan3A_52 : i32
    %scan3A_54 = arith.constant 1 : i32
    scf.for %scan3A_72 = %scan3A_51 to %scan3A_53 step %scan3A_54  : i32 {
      %mul3A_73 = arith.constant 2 : i32
      %mul3A_74 = arith.muli %scan3A_72, %mul3A_73 : i32
      %mul3A_75 = arith.constant 128 : i32
      %mul3A_76 = arith.muli %mul3A_74, %mul3A_75 : i32
      %add3A_77 = arith.addi %mul3A_27, %mul3A_76 : i32
      %multiple_of3A_78 = tpu.assume_multiple %add3A_77, 8 : i32
      %dma_wait3A_79 = tpu.memref_slice %arg3[%multiple_of3A_78] : memref<323584xi32, #tpu.memory_space<hbm>> -> memref<128xi32, #tpu.memory_space<hbm>>
      %dma_wait3A_80 = tpu.memref_slice %arg3[%multiple_of3A_78] : memref<323584xi32, #tpu.memory_space<hbm>> -> memref<128xi32, #tpu.memory_space<hbm>>
      tpu.wait_dma2 semaphore(%arg13 : memref<!tpu.dma_semaphore, #tpu.memory_space<semaphore_mem>>) src(%dma_wait3A_80 : memref<128xi32, #tpu.memory_space<hbm>>) dst(%arg7 : memref<128xi32, #tpu.memory_space<vmem>>)
      %dma_wait3A_81 = arith.constant 0 : i32
      %dma_wait3A_82 = tpu.memref_slice %arg6[%mul3A_74, %dma_wait3A_81] : memref<79x128xi32, #tpu.memory_space<vmem>> -> memref<1x128xi32, #tpu.memory_space<vmem>>
      %dma_wait3A_83 = tpu.memref_squeeze %dma_wait3A_82 : memref<1x128xi32, #tpu.memory_space<vmem>> -> memref<128xi32, #tpu.memory_space<vmem>>
      %dma_wait3A_84 = arith.constant 0 : i32
      %dma_wait3A_85 = arith.constant 0 : i32
      %dma_wait3A_86 = tpu.memref_slice %arg4[%dma_wait3A_84, %dma_wait3A_85] : memref<10240x128xf32, #tpu.memory_space<hbm>> -> memref<10240x128xf32, #tpu.memory_space<hbm>>
      tpu.wait_indirect_dma semaphore(%arg11 : memref<!tpu.dma_semaphore, #tpu.memory_space<semaphore_mem>>) src(%dma_wait3A_86 : memref<10240x128xf32, #tpu.memory_space<hbm>>) dst(%arg9 : memref<128x128xf32, #tpu.memory_space<vmem>>)
      "tpu.region"() ({
        %run_scoped3A = tpu.sem_alloc : memref<!tpu.dma_semaphore, #tpu.memory_space<semaphore_mem>>
        %dma_start3A_114 = arith.constant 0 : i32
        %dma_start3A_115 = arith.constant 0 : i32
        %dma_start3A_116 = tpu.memref_slice %arg15[%dma_start3A_114, %dma_start3A_115] : memref<10240x128xf32, #tpu.memory_space<vmem_shared>> -> memref<10240x128xf32, #tpu.memory_space<vmem_shared>>
        tpu.enqueue_indirect_dma source(%arg9 : memref<128x128xf32, #tpu.memory_space<vmem>>) target(%dma_start3A_116 : memref<10240x128xf32, #tpu.memory_space<vmem_shared>>) offsets(%arg7 : memref<128xi32, #tpu.memory_space<vmem>>) semaphore(%run_scoped3A : memref<!tpu.dma_semaphore, #tpu.memory_space<semaphore_mem>>) {add = true}
        %dma_wait3A_117 = arith.constant 0 : i32
        %dma_wait3A_118 = arith.constant 0 : i32
        %dma_wait3A_119 = tpu.memref_slice %arg15[%dma_wait3A_117, %dma_wait3A_118] : memref<10240x128xf32, #tpu.memory_space<vmem_shared>> -> memref<10240x128xf32, #tpu.memory_space<vmem_shared>>
        tpu.wait_indirect_dma semaphore(%run_scoped3A : memref<!tpu.dma_semaphore, #tpu.memory_space<semaphore_mem>>) src(%arg9 : memref<128x128xf32, #tpu.memory_space<vmem>>) dst(%dma_wait3A_119 : memref<10240x128xf32, #tpu.memory_space<vmem_shared>>)
        tpu.yield
      }) : () -> ()
      %add3A_87 = arith.constant 2 : i32
      %add3A_88 = arith.addi %mul3A_74, %add3A_87 : i32
      %lt3A = arith.constant 79 : i32
      %lt3A_89 = arith.cmpi slt, %add3A_88, %lt3A : i32
      %convert_element_type3A = arith.extui %lt3A_89 : i1 to i32
      %cond3A = arith.constant 0 : i32
      %cond3A_90 = arith.cmpi ne, %convert_element_type3A, %cond3A : i32
      scf.if %cond3A_90 {
        %add3A_114 = arith.constant 2 : i32
        %add3A_115 = arith.addi %mul3A_74, %add3A_114 : i32
        %min3A = arith.constant 78 : i32
        %min3A_116 = arith.minsi %add3A_115, %min3A : i32
        %multiple_of3A_117 = tpu.assume_multiple %mul3A_27, 8 : i32
        %mul3A_118 = arith.constant 128 : i32
        %mul3A_119 = arith.muli %min3A_116, %mul3A_118 : i32
        %add3A_120 = arith.addi %multiple_of3A_117, %mul3A_119 : i32
        %dma_start3A_121 = arith.constant 0 : i32
        %dma_start3A_122 = tpu.memref_slice %arg6[%min3A_116, %dma_start3A_121] : memref<79x128xi32, #tpu.memory_space<vmem>> -> memref<1x128xi32, #tpu.memory_space<vmem>>
        %dma_start3A_123 = tpu.memref_squeeze %dma_start3A_122 : memref<1x128xi32, #tpu.memory_space<vmem>> -> memref<128xi32, #tpu.memory_space<vmem>>
        %dma_start3A_124 = arith.constant 0 : i32
        %dma_start3A_125 = arith.constant 0 : i32
        %dma_start3A_126 = tpu.memref_slice %arg4[%dma_start3A_124, %dma_start3A_125] : memref<10240x128xf32, #tpu.memory_space<hbm>> -> memref<10240x128xf32, #tpu.memory_space<hbm>>
        tpu.enqueue_indirect_dma source(%dma_start3A_126 : memref<10240x128xf32, #tpu.memory_space<hbm>>) target(%arg9 : memref<128x128xf32, #tpu.memory_space<vmem>>) offsets(%dma_start3A_123 : memref<128xi32, #tpu.memory_space<vmem>>) semaphore(%arg11 : memref<!tpu.dma_semaphore, #tpu.memory_space<semaphore_mem>>)
        %dma_start3A_127 = tpu.memref_slice %arg3[%add3A_120] : memref<323584xi32, #tpu.memory_space<hbm>> -> memref<128xi32, #tpu.memory_space<hbm>>
        %dma_start3A_128 = tpu.memref_slice %arg3[%add3A_120] : memref<323584xi32, #tpu.memory_space<hbm>> -> memref<128xi32, #tpu.memory_space<hbm>>
        tpu.enqueue_dma source(%dma_start3A_128 : memref<128xi32, #tpu.memory_space<hbm>>) target(%arg7 : memref<128xi32, #tpu.memory_space<vmem>>) target_semaphore(%arg13 : memref<!tpu.dma_semaphore, #tpu.memory_space<semaphore_mem>>)
      } else {
      }
      %mul3A_91 = arith.constant 2 : i32
      %mul3A_92 = arith.muli %scan3A_72, %mul3A_91 : i32
      %add3A_93 = arith.constant 1 : i32
      %add3A_94 = arith.addi %mul3A_92, %add3A_93 : i32
      %mul3A_95 = arith.constant 128 : i32
      %mul3A_96 = arith.muli %add3A_94, %mul3A_95 : i32
      %add3A_97 = arith.addi %mul3A_27, %mul3A_96 : i32
      %multiple_of3A_98 = tpu.assume_multiple %add3A_97, 8 : i32
      %dma_wait3A_99 = tpu.memref_slice %arg3[%multiple_of3A_98] : memref<323584xi32, #tpu.memory_space<hbm>> -> memref<128xi32, #tpu.memory_space<hbm>>
      %dma_wait3A_100 = tpu.memref_slice %arg3[%multiple_of3A_98] : memref<323584xi32, #tpu.memory_space<hbm>> -> memref<128xi32, #tpu.memory_space<hbm>>
      tpu.wait_dma2 semaphore(%arg14 : memref<!tpu.dma_semaphore, #tpu.memory_space<semaphore_mem>>) src(%dma_wait3A_100 : memref<128xi32, #tpu.memory_space<hbm>>) dst(%arg8 : memref<128xi32, #tpu.memory_space<vmem>>)
      %dma_wait3A_101 = arith.constant 0 : i32
      %dma_wait3A_102 = tpu.memref_slice %arg6[%add3A_94, %dma_wait3A_101] : memref<79x128xi32, #tpu.memory_space<vmem>> -> memref<1x128xi32, #tpu.memory_space<vmem>>
      %dma_wait3A_103 = tpu.memref_squeeze %dma_wait3A_102 : memref<1x128xi32, #tpu.memory_space<vmem>> -> memref<128xi32, #tpu.memory_space<vmem>>
      %dma_wait3A_104 = arith.constant 0 : i32
      %dma_wait3A_105 = arith.constant 0 : i32
      %dma_wait3A_106 = tpu.memref_slice %arg4[%dma_wait3A_104, %dma_wait3A_105] : memref<10240x128xf32, #tpu.memory_space<hbm>> -> memref<10240x128xf32, #tpu.memory_space<hbm>>
      tpu.wait_indirect_dma semaphore(%arg12 : memref<!tpu.dma_semaphore, #tpu.memory_space<semaphore_mem>>) src(%dma_wait3A_106 : memref<10240x128xf32, #tpu.memory_space<hbm>>) dst(%arg10 : memref<128x128xf32, #tpu.memory_space<vmem>>)
      "tpu.region"() ({
        %run_scoped3A = tpu.sem_alloc : memref<!tpu.dma_semaphore, #tpu.memory_space<semaphore_mem>>
        %dma_start3A_114 = arith.constant 0 : i32
        %dma_start3A_115 = arith.constant 0 : i32
        %dma_start3A_116 = tpu.memref_slice %arg15[%dma_start3A_114, %dma_start3A_115] : memref<10240x128xf32, #tpu.memory_space<vmem_shared>> -> memref<10240x128xf32, #tpu.memory_space<vmem_shared>>
        tpu.enqueue_indirect_dma source(%arg10 : memref<128x128xf32, #tpu.memory_space<vmem>>) target(%dma_start3A_116 : memref<10240x128xf32, #tpu.memory_space<vmem_shared>>) offsets(%arg8 : memref<128xi32, #tpu.memory_space<vmem>>) semaphore(%run_scoped3A : memref<!tpu.dma_semaphore, #tpu.memory_space<semaphore_mem>>) {add = true}
        %dma_wait3A_117 = arith.constant 0 : i32
        %dma_wait3A_118 = arith.constant 0 : i32
        %dma_wait3A_119 = tpu.memref_slice %arg15[%dma_wait3A_117, %dma_wait3A_118] : memref<10240x128xf32, #tpu.memory_space<vmem_shared>> -> memref<10240x128xf32, #tpu.memory_space<vmem_shared>>
        tpu.wait_indirect_dma semaphore(%run_scoped3A : memref<!tpu.dma_semaphore, #tpu.memory_space<semaphore_mem>>) src(%arg10 : memref<128x128xf32, #tpu.memory_space<vmem>>) dst(%dma_wait3A_119 : memref<10240x128xf32, #tpu.memory_space<vmem_shared>>)
        tpu.yield
      }) : () -> ()
      %add3A_107 = arith.constant 2 : i32
      %add3A_108 = arith.addi %add3A_94, %add3A_107 : i32
      %lt3A_109 = arith.constant 79 : i32
      %lt3A_110 = arith.cmpi slt, %add3A_108, %lt3A_109 : i32
      %convert_element_type3A_111 = arith.extui %lt3A_110 : i1 to i32
      %cond3A_112 = arith.constant 0 : i32
      %cond3A_113 = arith.cmpi ne, %convert_element_type3A_111, %cond3A_112 : i32
      scf.if %cond3A_113 {
        %add3A_114 = arith.constant 2 : i32
        %add3A_115 = arith.addi %add3A_94, %add3A_114 : i32
        %min3A = arith.constant 78 : i32
        %min3A_116 = arith.minsi %add3A_115, %min3A : i32
        %multiple_of3A_117 = tpu.assume_multiple %mul3A_27, 8 : i32
        %mul3A_118 = arith.constant 128 : i32
        %mul3A_119 = arith.muli %min3A_116, %mul3A_118 : i32
        %add3A_120 = arith.addi %multiple_of3A_117, %mul3A_119 : i32
        %dma_start3A_121 = arith.constant 0 : i32
        %dma_start3A_122 = tpu.memref_slice %arg6[%min3A_116, %dma_start3A_121] : memref<79x128xi32, #tpu.memory_space<vmem>> -> memref<1x128xi32, #tpu.memory_space<vmem>>
        %dma_start3A_123 = tpu.memref_squeeze %dma_start3A_122 : memref<1x128xi32, #tpu.memory_space<vmem>> -> memref<128xi32, #tpu.memory_space<vmem>>
        %dma_start3A_124 = arith.constant 0 : i32
        %dma_start3A_125 = arith.constant 0 : i32
        %dma_start3A_126 = tpu.memref_slice %arg4[%dma_start3A_124, %dma_start3A_125] : memref<10240x128xf32, #tpu.memory_space<hbm>> -> memref<10240x128xf32, #tpu.memory_space<hbm>>
        tpu.enqueue_indirect_dma source(%dma_start3A_126 : memref<10240x128xf32, #tpu.memory_space<hbm>>) target(%arg10 : memref<128x128xf32, #tpu.memory_space<vmem>>) offsets(%dma_start3A_123 : memref<128xi32, #tpu.memory_space<vmem>>) semaphore(%arg12 : memref<!tpu.dma_semaphore, #tpu.memory_space<semaphore_mem>>)
        %dma_start3A_127 = tpu.memref_slice %arg3[%add3A_120] : memref<323584xi32, #tpu.memory_space<hbm>> -> memref<128xi32, #tpu.memory_space<hbm>>
        %dma_start3A_128 = tpu.memref_slice %arg3[%add3A_120] : memref<323584xi32, #tpu.memory_space<hbm>> -> memref<128xi32, #tpu.memory_space<hbm>>
        tpu.enqueue_dma source(%dma_start3A_128 : memref<128xi32, #tpu.memory_space<hbm>>) target(%arg8 : memref<128xi32, #tpu.memory_space<vmem>>) target_semaphore(%arg14 : memref<!tpu.dma_semaphore, #tpu.memory_space<semaphore_mem>>)
      } else {
      }
    }
    %scan3A_55 = arith.constant 39 : i32
    %add3A_56 = arith.constant 9984 : i32
    %add3A_57 = arith.addi %mul3A_27, %add3A_56 : i32
    %multiple_of3A_58 = tpu.assume_multiple %add3A_57, 8 : i32
    %dma_wait3A = tpu.memref_slice %arg3[%multiple_of3A_58] : memref<323584xi32, #tpu.memory_space<hbm>> -> memref<128xi32, #tpu.memory_space<hbm>>
    %dma_wait3A_59 = tpu.memref_slice %arg3[%multiple_of3A_58] : memref<323584xi32, #tpu.memory_space<hbm>> -> memref<128xi32, #tpu.memory_space<hbm>>
    tpu.wait_dma2 semaphore(%arg13 : memref<!tpu.dma_semaphore, #tpu.memory_space<semaphore_mem>>) src(%dma_wait3A_59 : memref<128xi32, #tpu.memory_space<hbm>>) dst(%arg7 : memref<128xi32, #tpu.memory_space<vmem>>)
    %dma_wait3A_60 = arith.constant 78 : i32
    %dma_wait3A_61 = arith.constant 0 : i32
    %dma_wait3A_62 = tpu.memref_slice %arg6[%dma_wait3A_60, %dma_wait3A_61] : memref<79x128xi32, #tpu.memory_space<vmem>> -> memref<1x128xi32, #tpu.memory_space<vmem>>
    %dma_wait3A_63 = tpu.memref_squeeze %dma_wait3A_62 : memref<1x128xi32, #tpu.memory_space<vmem>> -> memref<128xi32, #tpu.memory_space<vmem>>
    %dma_wait3A_64 = arith.constant 0 : i32
    %dma_wait3A_65 = arith.constant 0 : i32
    %dma_wait3A_66 = tpu.memref_slice %arg4[%dma_wait3A_64, %dma_wait3A_65] : memref<10240x128xf32, #tpu.memory_space<hbm>> -> memref<10240x128xf32, #tpu.memory_space<hbm>>
    tpu.wait_indirect_dma semaphore(%arg11 : memref<!tpu.dma_semaphore, #tpu.memory_space<semaphore_mem>>) src(%dma_wait3A_66 : memref<10240x128xf32, #tpu.memory_space<hbm>>) dst(%arg9 : memref<128x128xf32, #tpu.memory_space<vmem>>)
    "tpu.region"() ({
      %run_scoped3A = tpu.sem_alloc : memref<!tpu.dma_semaphore, #tpu.memory_space<semaphore_mem>>
      %dma_start3A_72 = arith.constant 0 : i32
      %dma_start3A_73 = arith.constant 0 : i32
      %dma_start3A_74 = tpu.memref_slice %arg15[%dma_start3A_72, %dma_start3A_73] : memref<10240x128xf32, #tpu.memory_space<vmem_shared>> -> memref<10240x128xf32, #tpu.memory_space<vmem_shared>>
      tpu.enqueue_indirect_dma source(%arg9 : memref<128x128xf32, #tpu.memory_space<vmem>>) target(%dma_start3A_74 : memref<10240x128xf32, #tpu.memory_space<vmem_shared>>) offsets(%arg7 : memref<128xi32, #tpu.memory_space<vmem>>) semaphore(%run_scoped3A : memref<!tpu.dma_semaphore, #tpu.memory_space<semaphore_mem>>) {add = true}
      %dma_wait3A_75 = arith.constant 0 : i32
      %dma_wait3A_76 = arith.constant 0 : i32
      %dma_wait3A_77 = tpu.memref_slice %arg15[%dma_wait3A_75, %dma_wait3A_76] : memref<10240x128xf32, #tpu.memory_space<vmem_shared>> -> memref<10240x128xf32, #tpu.memory_space<vmem_shared>>
      tpu.wait_indirect_dma semaphore(%run_scoped3A : memref<!tpu.dma_semaphore, #tpu.memory_space<semaphore_mem>>) src(%arg9 : memref<128x128xf32, #tpu.memory_space<vmem>>) dst(%dma_wait3A_77 : memref<10240x128xf32, #tpu.memory_space<vmem_shared>>)
      tpu.yield
    }) : () -> ()
    %barrier3A_67 = arith.constant 0 : index
    tpu.barrier barrier_id(%barrier3A_67)
    %mul3A_68 = arith.constant 640 : i32
    %mul3A_69 = arith.muli %arg1, %mul3A_68 : i32
    %mul3A_70 = arith.constant 640 : i32
    %mul3A_71 = arith.muli %arg1, %mul3A_70 : i32
    "tpu.region"() ({
      %run_scoped3A = tpu.sem_alloc : memref<!tpu.dma_semaphore, #tpu.memory_space<semaphore_mem>>
      %dma_start3A_72 = arith.constant 0 : i32
      %dma_start3A_73 = tpu.memref_slice %arg5[%arg0, %mul3A_71, %dma_start3A_72] : memref<2x10240x128xf32, #tpu.memory_space<hbm>> -> memref<1x640x128xf32, #tpu.memory_space<hbm>>
      %dma_start3A_74 = tpu.memref_squeeze %dma_start3A_73 : memref<1x640x128xf32, #tpu.memory_space<hbm>> -> memref<640x128xf32, #tpu.memory_space<hbm>>
      %dma_start3A_75 = arith.constant 0 : i32
      %dma_start3A_76 = tpu.memref_slice %arg15[%mul3A_69, %dma_start3A_75] : memref<10240x128xf32, #tpu.memory_space<vmem_shared>> -> memref<640x128xf32, #tpu.memory_space<vmem_shared>>
      tpu.enqueue_dma source(%dma_start3A_76 : memref<640x128xf32, #tpu.memory_space<vmem_shared>>) target(%dma_start3A_74 : memref<640x128xf32, #tpu.memory_space<hbm>>) target_semaphore(%run_scoped3A : memref<!tpu.dma_semaphore, #tpu.memory_space<semaphore_mem>>)
      %dma_wait3A_77 = arith.constant 0 : i32
      %dma_wait3A_78 = tpu.memref_slice %arg5[%arg0, %mul3A_71, %dma_wait3A_77] : memref<2x10240x128xf32, #tpu.memory_space<hbm>> -> memref<1x640x128xf32, #tpu.memory_space<hbm>>
      %dma_wait3A_79 = tpu.memref_squeeze %dma_wait3A_78 : memref<1x640x128xf32, #tpu.memory_space<hbm>> -> memref<640x128xf32, #tpu.memory_space<hbm>>
      %dma_wait3A_80 = arith.constant 0 : i32
      %dma_wait3A_81 = tpu.memref_slice %arg15[%mul3A_69, %dma_wait3A_80] : memref<10240x128xf32, #tpu.memory_space<vmem_shared>> -> memref<640x128xf32, #tpu.memory_space<vmem_shared>>
      tpu.wait_dma2 semaphore(%run_scoped3A : memref<!tpu.dma_semaphore, #tpu.memory_space<semaphore_mem>>) src(%dma_wait3A_81 : memref<640x128xf32, #tpu.memory_space<vmem_shared>>) dst(%dma_wait3A_79 : memref<640x128xf32, #tpu.memory_space<hbm>>)
      tpu.yield
    }) : () -> ()
    return
  }
}

module attributes {stable_mosaic.version = 14 : i64} {
  func.func @_lin_body(%arg0: memref<10000x128xf32, #tpu.memory_space<vmem>>, %arg1: memref<128x128xf32, #tpu.memory_space<vmem>>, %arg2: memref<10240x2xf32, #tpu.memory_space<vmem>>, %arg3: memref<10240x128xf32, #tpu.memory_space<vmem>>) attributes {dimension_semantics = [], scalar_prefetch = 0 : i64, scratch_operands = 0 : i64, tpu.core_type = #tpu.core_type<tc>} {
    %get3A = arith.constant 0 : index
    %get3A_0 = arith.constant 0 : index
    %get3A_1 = vector.load %arg2[%get3A, %get3A_0] : memref<10240x2xf32, #tpu.memory_space<vmem>>, vector<10000x1xf32>
    %get3A_2 = arith.constant 0 : index
    %get3A_3 = arith.constant 1 : index
    %get3A_4 = vector.load %arg2[%get3A_2, %get3A_3] : memref<10240x2xf32, #tpu.memory_space<vmem>>, vector<10000x1xf32>
    %add3A = arith.addf %get3A_1, %get3A_4 : vector<10000x1xf32>
    %add3A_5 = arith.constant 1.000000e+00 : f32
    %add3A_6 = vector.broadcast %add3A_5 : f32 to vector<10000x1xf32>
    %add3A_7 = arith.addf %add3A, %add3A_6 : vector<10000x1xf32>
    %rsqrt3A = math.rsqrt %add3A_7 : vector<10000x1xf32>
    %get3A_8 = arith.constant 0 : index
    %get3A_9 = arith.constant 0 : index
    %get3A_10 = vector.load %arg0[%get3A_8, %get3A_9] : memref<10000x128xf32, #tpu.memory_space<vmem>>, vector<10000x128xf32>
    %mul3A = vector.broadcast %rsqrt3A : vector<10000x1xf32> to vector<10000x128xf32>
    %mul3A_11 = arith.mulf %get3A_10, %mul3A : vector<10000x128xf32>
    %get3A_12 = arith.constant 0 : index
    %get3A_13 = arith.constant 0 : index
    %get3A_14 = vector.load %arg1[%get3A_12, %get3A_13] : memref<128x128xf32, #tpu.memory_space<vmem>>, vector<128x128xf32>
    %dot_general3A = arith.constant dense<0.000000e+00> : vector<10000x128xf32>
    %dot_general3A_15 = tpu.matmul %mul3A_11, %get3A_14, %dot_general3A {dimension_numbers = #tpu.dot_dimension_numbers<[1], [0], [0], [1], [0, 0, 1, 1], [], []>, transpose_lhs_hint = false} : vector<10000x128xf32>, vector<128x128xf32>, vector<10000x128xf32> -> vector<10000x128xf32>
    %swap3A = arith.constant 0 : index
    %swap3A_16 = arith.constant 0 : index
    %swap3A_17 = vector.load %arg3[%swap3A, %swap3A_16] : memref<10240x128xf32, #tpu.memory_space<vmem>>, vector<10000x128xf32>
    tpu.vector_store %arg3[%swap3A, %swap3A_16], %dot_general3A_15 {strides = array<i32>} : memref<10240x128xf32, #tpu.memory_space<vmem>>, vector<10000x128xf32>,
    %broadcast_in_dim3A = arith.constant 0.000000e+00 : f32
    %broadcast_in_dim3A_18 = vector.broadcast %broadcast_in_dim3A : f32 to vector<240x128xf32>
    %swap3A_19 = arith.constant 10000 : index
    %swap3A_20 = arith.constant 0 : index
    %swap3A_21 = vector.load %arg3[%swap3A_19, %swap3A_20] : memref<10240x128xf32, #tpu.memory_space<vmem>>, vector<240x128xf32>
    tpu.vector_store %arg3[%swap3A_19, %swap3A_20], %broadcast_in_dim3A_18 {strides = array<i32>} : memref<10240x128xf32, #tpu.memory_space<vmem>>, vector<240x128xf32>,
    return
  }
}

module attributes {stable_mosaic.version = 14 : i64} {
  func.func @_out_body(%arg0: memref<2x10240x128xf32, #tpu.memory_space<vmem>>, %arg1: memref<10240x128xf32, #tpu.memory_space<vmem>>, %arg2: memref<10240x2xf32, #tpu.memory_space<vmem>>, %arg3: memref<1x128xf32, #tpu.memory_space<vmem>>, %arg4: memref<10000x128xf32, #tpu.memory_space<vmem>>) attributes {dimension_semantics = [], scalar_prefetch = 0 : i64, scratch_operands = 0 : i64, tpu.core_type = #tpu.core_type<tc>} {
    %get3A = arith.constant 0 : index
    %get3A_0 = arith.constant 0 : index
    %get3A_1 = vector.load %arg2[%get3A, %get3A_0] : memref<10240x2xf32, #tpu.memory_space<vmem>>, vector<10000x1xf32>
    %get3A_2 = arith.constant 0 : index
    %get3A_3 = arith.constant 1 : index
    %get3A_4 = vector.load %arg2[%get3A_2, %get3A_3] : memref<10240x2xf32, #tpu.memory_space<vmem>>, vector<10000x1xf32>
    %add3A = arith.addf %get3A_1, %get3A_4 : vector<10000x1xf32>
    %add3A_5 = arith.constant 1.000000e+00 : f32
    %add3A_6 = vector.broadcast %add3A_5 : f32 to vector<10000x1xf32>
    %add3A_7 = arith.addf %add3A, %add3A_6 : vector<10000x1xf32>
    %rsqrt3A = math.rsqrt %add3A_7 : vector<10000x1xf32>
    %get3A_8 = arith.constant 0 : index
    %get3A_9 = arith.constant 0 : index
    %get3A_10 = arith.constant 0 : index
    %get3A_11 = vector.load %arg0[%get3A_8, %get3A_9, %get3A_10] : memref<2x10240x128xf32, #tpu.memory_space<vmem>>, vector<1x10000x128xf32>
    %get3A_12 = vector.shape_cast %get3A_11 : vector<1x10000x128xf32> to vector<10000x128xf32>
    %get3A_13 = arith.constant 1 : index
    %get3A_14 = arith.constant 0 : index
    %get3A_15 = arith.constant 0 : index
    %get3A_16 = vector.load %arg0[%get3A_13, %get3A_14, %get3A_15] : memref<2x10240x128xf32, #tpu.memory_space<vmem>>, vector<1x10000x128xf32>
    %get3A_17 = vector.shape_cast %get3A_16 : vector<1x10000x128xf32> to vector<10000x128xf32>
    %add3A_18 = arith.addf %get3A_12, %get3A_17 : vector<10000x128xf32>
    %get3A_19 = arith.constant 0 : index
    %get3A_20 = arith.constant 0 : index
    %get3A_21 = vector.load %arg1[%get3A_19, %get3A_20] : memref<10240x128xf32, #tpu.memory_space<vmem>>, vector<10000x128xf32>
    %add3A_22 = arith.addf %add3A_18, %get3A_21 : vector<10000x128xf32>
    %mul3A = vector.broadcast %rsqrt3A : vector<10000x1xf32> to vector<10000x128xf32>
    %mul3A_23 = arith.mulf %add3A_22, %mul3A : vector<10000x128xf32>
    %get3A_24 = arith.constant 0 : index
    %get3A_25 = arith.constant 0 : index
    %get3A_26 = vector.load %arg3[%get3A_24, %get3A_25] : memref<1x128xf32, #tpu.memory_space<vmem>>, vector<1x128xf32>
    %add3A_27 = vector.broadcast %get3A_26 : vector<1x128xf32> to vector<10000x128xf32>
    %add3A_28 = arith.addf %mul3A_23, %add3A_27 : vector<10000x128xf32>
    %max3A = arith.constant 0.000000e+00 : f32
    %max3A_29 = vector.broadcast %max3A : f32 to vector<10000x128xf32>
    %max3A_30 = arith.maximumf %add3A_28, %max3A_29 : vector<10000x128xf32>
    %swap3A = arith.constant 0 : index
    %swap3A_31 = arith.constant 0 : index
    %swap3A_32 = vector.load %arg4[%swap3A, %swap3A_31] : memref<10000x128xf32, #tpu.memory_space<vmem>>, vector<10000x128xf32>
    tpu.vector_store %arg4[%swap3A, %swap3A_31], %max3A_30 {strides = array<i32>} : memref<10000x128xf32, #tpu.memory_space<vmem>>, vector<10000x128xf32>,
    return
  }
}

</mosaic_0001>

<sc_bundles>
// kernel: kernel.6.cloned.1.call-start
scs
__scs_entry_jumppad:
0x0: {  	(pc) =	sbr.rel $0x88, $3  }
0x1: {  	(tag) =	ssettag $0x0;
	lr =	simm.s32 $0x1  }
0x2: {  	[smem:$0x3F9D] =	sst lr;
	_ =	strace $0xD0000000  }
0x3: {  	_ = 	snop  }
0x4: {  	_ = 	snop  }
0x5: {  	_ = 	snop  }
0x6: {  	_ = 	snop  }
0x7: {  	_ = 	snop  }
__scs_overlays_trampoline_lowered:
0x8: {  	[smem:$0x3FAC] =	sst s0  }
0x9: {  	[smem:$0x3FAD] =	sst s1  }
0xa: {  	[smem:$0x3FAE] =	sst s2  }
0xb: {  	[smem:$0x3FAF] =	sst s3  }
0xc: {  	[smem:$0x3FB0] =	sst s4  }
0xd: {  	[smem:$0x3FB1] =	sst s5  }
0xe: {  	[smem:$0x3FB2] =	sst s6  }
0xf: {  	[smem:$0x3FB3] =	sst s7  }
0x10: {  	[smem:$0x3FB4] =	sst s8  }
0x11: {  	[smem:$0x3FB5] =	sst s9;
	s0 =	simm.s32 @!p0 $0x0  }
0x12: {  	s1 =	sld [smem:$0x3F9B];
	s0 =	simm.s32 @p0 $0x1  }
0x13: {  	[smem:$0x3FB6] =	sst s0;
	s0 =	simm.s32 @!p1 $0x0  }
0x14: {  	s2 =	sld [smem:$0x3F9A];
	s0 =	simm.s32 @p1 $0x1  }
0x15: {  	[smem:$0x3FB7] =	sst s0;
	s0 =	simm.s32 @!p2 $0x0  }
0x16: {  	s3 =	sld [smem:$0x3FDB];
	s0 =	simm.s32 @p2 $0x1  }
0x17: {  	s4 =	simm.s32 $0x1BF5;
	[smem:$0x3FB9] =	sst s0  }
0x18: {  	s0 =	sld [smem:$0x3F9C];
	_ =	swait.ge [sflag:s4], $0x0  }
0x19: {  	s7 =	sld [smem:$0x3F9D]  }
0x1a: {  	s8 =	sadd.s32 $0xFFFFE003, lr  }
0x1b: {  	s9 =	sadd.s32 $0xFFFFFEF7, lr;
	s5 =	simm.s32 $0xFFFFFFFF;
	p2 =	slt.u32 s8, $0xFFFFF086  }
0x1c: {  	p1 =	slt.u32 s9, $0xF7A;
	s5 =	simm.s32 @!p2 $0x0  }
0x1d: {  	s5 =	simm.s32 @p1 $0x1;
	p0 =	seq.s32 s7, s2  }
0x1e: {  	s7 =	smul.u32 @!p0 $0xF7A, s2;
	p2 =	seq.s32 @!p0 s5, $0x0  }
0x1f: {  	s9 =	smul.u32 $0xF7A, s1;
	s8 =	simm.s32 @!p0 $0x1BF5;
	p2 =	por !p2, p0  }
0x20: {  	[sflag:s8] =	ssyncset.s32 @!p0 $0xFFFFF086;
	s6 =	sadd.s32 @!p0 s3, s7;
	s7 =	simm.s32 @!p0 $0x108  }
0x21: {  	s3 =	sadd.s32 s3, s9;
	s6 =	sadd.s32 @!p0 $0x88, s6;
	s7 =	simm.s32 @p2 $0x1082  }
0x22: {  	[simem:s7], [sflag:s8] =	dma.local @!p0 [hbm:s6], $0xF7A  }
0x23: {  	s9 =	sor.u32 $0xD0000000, s2;
	s6 =	simm.s32 $0x108;
	_ =	swait.ge @!p0 [sflag:s8], $0x0  }
0x24: {  	s3 =	sadd.s32 $0x88, s3;
	s6 =	simm.s32 @!p1 $0x1082;
	[sflag:s4] =	ssyncset.s32 $0xFFFFF086  }
0x25: {  	[simem:s6], [sflag:s4] =	dma.local [hbm:s3], $0xF7A  }
0x26: {  	[smem:$0x3F9D] =	sst s1;
	(tag) =	ssettag s2;
	_ =	strace s9  }
0x27: {  	s1 =	sld [smem:$0x3FAD]  }
0x28: {  	s2 =	sld [smem:$0x3FAE]  }
0x29: {  	s4 =	sld [smem:$0x3FB0]  }
0x2a: {  	p0 =	seq.s32 s5, $0x0;
	s5 =	sld [smem:$0x3FB1]  }
0x2b: {  	s6 =	sld [smem:$0x3FB2]  }
0x2c: {  	s7 =	sld [smem:$0x3FB3]  }
0x2d: {  	s3 =	simm.s32 $0x108;
	s8 =	sld [smem:$0x3FB4]  }
0x2e: {  	s3 =	simm.s32 @!p0 $0x1082;
	s9 =	sld [smem:$0x3FB5]  }
0x2f: {  	lr =	sadd.s32 s0, s3;
	s0 =	sld [smem:$0x3FAC]  }
0x30: {  	s3 =	sld [smem:$0x3FAF]  }
0x31: {  	[smem:$0x3FB8] =	sst s10  }
0x32: {  	s10 =	sld [smem:$0x3FB6];
	_ =	sdelay $0x3  }
0x33: {  	p0 =	seq.s32 s10, $0x1;
	s10 =	sld [smem:$0x3FB8];
	_ =	sdelay $0x3  }
0x34: {  	[smem:$0x3FB8] =	sst s10  }
0x35: {  	s10 =	sld [smem:$0x3FB7];
	_ =	sdelay $0x3  }
0x36: {  	p1 =	seq.s32 s10, $0x1;
	s10 =	sld [smem:$0x3FB8];
	_ =	sdelay $0x3  }
0x37: {  	[smem:$0x3FB8] =	sst s10  }
0x38: {  	s10 =	sld [smem:$0x3FB9]  }
0x39: {  	_ = 	snop;
	(pc) =	sbr.ind lr, $3  }
0x3a: {  	_ = 	snop  }
0x3b: {  	_ = 	snop  }
0x3c: {  	p2 =	seq.s32 s10, $0x1;
	s10 =	sld [smem:$0x3FB8]  }
0x3d: {  	_ =	shalt  }
0x3e: {  	_ =	shalt  }
0x3f: {  	_ =	shalt  }
0x40: {  	_ =	shalt  }
0x41: {  	_ =	shalt  }
0x42: {  	_ =	shalt  }
0x43: {  	_ =	shalt  }
0x44: {  	_ =	shalt  }
0x45: {  	_ =	shalt  }
0x46: {  	_ =	shalt  }
0x47: {  	_ =	shalt  }
0x48: {  	_ =	shalt  }
0x49: {  	_ =	shalt  }
0x4a: {  	_ =	shalt  }
0x4b: {  	_ =	shalt  }
0x4c: {  	_ =	shalt  }
0x4d: {  	_ =	shalt  }
0x4e: {  	_ =	shalt  }
0x4f: {  	_ =	shalt  }
0x50: {  	_ =	shalt  }
0x51: {  	_ =	shalt  }
0x52: {  	_ =	shalt  }
0x53: {  	_ =	shalt  }
0x54: {  	_ =	shalt  }
0x55: {  	_ =	shalt  }
0x56: {  	_ =	shalt  }
0x57: {  	_ =	shalt  }
0x58: {  	_ =	shalt  }
0x59: {  	_ =	shalt  }
0x5a: {  	_ =	shalt  }
0x5b: {  	_ =	shalt  }
0x5c: {  	_ =	shalt  }
0x5d: {  	_ =	shalt  }
0x5e: {  	_ =	shalt  }
0x5f: {  	_ =	shalt  }
0x60: {  	_ =	shalt  }
0x61: {  	_ =	shalt  }
0x62: {  	_ =	shalt  }
0x63: {  	_ =	shalt  }
0x64: {  	_ =	shalt  }
0x65: {  	_ =	shalt  }
0x66: {  	_ =	shalt  }
0x67: {  	_ =	shalt  }
0x68: {  	_ =	shalt  }
0x69: {  	_ =	shalt  }
0x6a: {  	_ =	shalt  }
0x6b: {  	_ =	shalt  }
0x6c: {  	_ =	shalt  }
0x6d: {  	_ =	shalt  }
0x6e: {  	_ =	shalt  }
0x6f: {  	_ =	shalt  }
0x70: {  	_ =	shalt  }
0x71: {  	_ =	shalt  }
0x72: {  	_ =	shalt  }
0x73: {  	_ =	shalt  }
0x74: {  	_ =	shalt  }
0x75: {  	_ =	shalt  }
0x76: {  	_ =	shalt  }
0x77: {  	_ =	shalt  }
0x78: {  	_ =	shalt  }
0x79: {  	_ =	shalt  }
0x7a: {  	_ =	shalt  }
0x7b: {  	_ =	shalt  }
0x7c: {  	_ =	shalt  }
0x7d: {  	_ =	shalt  }
0x7e: {  	_ =	shalt  }
0x7f: {  	_ =	shalt  }
0x80: {  	_ =	shalt  }
0x81: {  	_ =	shalt  }
0x82: {  	_ =	shalt  }
0x83: {  	_ =	shalt  }
0x84: {  	_ =	shalt  }
0x85: {  	_ =	shalt  }
0x86: {  	_ =	shalt  }
0x87: {  	_ =	shalt  }
.Lfunc_end0:
.L_simem_size_0:
called_computation_lowered:
.L_overlay_start_0:
0x88: {  	s2 =	sld [smem:$0x3FD9]  }
0x89: {  	s3 =	sld [smem:$0x3FFE];
	_ =	sdelay $0x1  }
0x8a: {  	s1 =	srdreg.scid  }
0x8b: {  	s0 =	sand.u32 $0x1, s1  }
0x8c: {  	s16 =	sshll.u32 s0, $0xA;
	s2 =	sadd.s32 s3, s2  }
0x8d: {  	s2 =	sadd.s32 s2, s16  }
0x8e: {  	[smem:$0x3FC4] =	sst s2  }
0x8f: {  	_ = 	snop  }
0x90: {  	(tm) =	ssettm $0x1  }
0x91: {  	s17 =	sld [smem:$0x3FFB];
	_ =	sdelay $0x3  }
0x92: {  	_ =	strace s17  }
0x93: {  	s2 =	sld [smem:$0x3FFC];
	_ =	sdelay $0x3  }
0x94: {  	_ =	strace s2  }
0x95: {  	s2 =	sld [smem:$0x3FFD];
	_ =	sdelay $0x3  }
0x96: {  	_ =	strace s2  }
0x97: {  	_ =	strace $0x8FFFFFFF  }
0x98: {  	s18 =	sld [smem:$0x3FDB];
	_ =	sdelay $0x1  }
0x99: {  	s19 =	simm.s32 $_scs_section_size  }
0x9a: {  	s4 =	simm.s32 $_size__tile_overlayer_lowered;
	s5 =	simm.s32 $_tile_overlayer_lowered  }
0x9b: {  	s22 =	simm.s32 $0x1BFF;
	s21 =	sshll.u32 s5, $0x1;
	s2 =	sadd.s32 s19, s18  }
0x9c: {  	s6 =	simm.s32 $0x0;
	s20 =	sshll.u32 s4, $0x1;
	s4 =	sadd.s32 s21, s2  }
0x9d: {  	[timem:s6], [sflag:s22] =	dma.local [hbm:s4], s20  }
0x9e: {  	_ =	swait.ge [sflag:s22], s20  }
0x9f: {  	s3 =	ssub.s32 $0x0, s20;
	[sflag:s22] =	ssyncset.done $0x0  }
0xa0: {  	[sflag:s22] =	ssyncadd.s32 s3;
	_ =	sdelay $0x1  }
0xa1: {  	s23 =	simm.s32 $0x1B8B  }
0xa2: {  	_ =	swait.ge [sflag:s23], $0x1  }
0xa3: {  	[sflag:s23] =	ssyncset.done $0x0  }
0xa4: {  	s25 =	simm.s32 $0x1B8E;
	s24 =	sld [smem:$0x3FFE];
	[sflag:s23] =	ssyncadd.s32 $0xFFFFFFFF  }
0xa5: {  	s26 =	simm.s32 $execute0_lowered;
	[smem:$0x3FD2] =	sst s25  }
0xa6: {  	s4 =	sshll.u32 s26, $0x1;
	_ =	strace $0x80000046;
	[dreg:$0x1] =	wrdreg $0xFFFFFFFF  }
0xa7: {  	s28 =	simm.s32 $_size_execute0_lowered;
	s2 =	sadd.s32 s2, s4;
	[dreg:$0x0] =	wrdreg $0x0  }
0xa8: {  	s4 =	sshll.u32 s28, $0x1;
	[dreg:$0x2] =	wrdreg s2  }
0xa9: {  	[dreg:$0x3] =	wrdreg s4  }
0xaa: {  	[dreg:$0x4] =	wrdreg $0xC0  }
0xab: {  	_ =	task [dreg:s6], $0x5FFFF  }
0xac: {  	[dreg:$0x1] =	wrdreg $0xFFFFFFFF  }
0xad: {  	[dreg:$0x0] =	wrdreg $0x60  }
0xae: {  	[dreg:$0x2] =	wrdreg s24  }
0xaf: {  	[dreg:$0x3] =	wrdreg $0x2B000  }
0xb0: {  	[dreg:$0x4] =	wrdreg $0x9  }
0xb1: {  	_ =	task.clear_ibuf [dreg:s6], $0x5FFFF;
	_ =	strace $0x90000046  }
0xb2: {  	s29 =	simm.s32 $0x9;
	_ =	strace $0x80000048  }
0xb3: {  	_ =	swait.ge [sflag:s29], $0x1  }
0xb4: {  	[sflag:s29] =	ssyncadd.s32 $0xFFFFFFFF  }
0xb5: {  	_ =	strace $0x90000048  }
0xb6: {  	_ =	sfence  }
0xb7: {  	s30 =	sld [smem:$0x0];
	_ =	sdelay $0x2  }
0xb8: {  	s31 =	sshll.u32 s1, $0xD;
	s1 =	sshrl.u32 s1, $0x2  }
0xb9: {  	s3 =	sand.u32 $0x4000, s31;
	s1 =	sadd.s32 s1, s30  }
0xba: {  	s0 =	sor.u32 s3, s0;
	s1 =	sshll.u32 s1, $0x11  }
0xbb: {  	s0 =	sor.u32 s1, s0  }
0xbc: {  	s0 =	sadd.s32 $0x8F2B, s0  }
0xbd: {  	[sflag:s0] =	ssyncadd.remote.s32 $0x1  }
0xbe: {  	_ =	sfence.sel $0xFFFF  }
0xbf: {  	[dreg:$0x0] =	wrdreg $0xFFFFFFFF;
	(pc) =	sbr.abs _section_cstart, $3  }
0xc0: {  	[dreg:$0x1] =	wrdreg $0xFFFFFFFF  }
0xc1: {  	_ =	task.clear_ibuf [dreg:s6], $0x2FFFF;
	_ =	strace $0x9FFFFFFF  }
0xc2: {  	(tm) =	ssettm $0x7FFFFFFF  }
0xc3: {  	_ =	shalt  }
tec
execute0_lowered:
.L_overlay_start_1:
0x0: {  	(tag) =	ssettag $0x1  }
0x1: {  	s4 =	rddreg [dreg:$0x0]  }
0x2: {  	s1 =	rddreg [dreg:$0x1]  }
0x3: {  	s2 =	srdreg.scid;
	s0 =	rddreg [dreg:$0x2];
	s3 =	simm.s32 $0x0  }
0x4: {  	s10 =	simm.s32 $0x80;
	s11 =	simm.s32 $0x2800;
	s12 =	simm.s32 $0x1  }
0x5: {  	s15 =	simm.s32 $0x20;
	s16 =	simm.s32 $0x10;
	s17 =	simm.s32 $0x0  }
0x6: {  	s5 =	sand.u32 $0x1, s2;
	s2 =	stileid.u32;
	[smem:$0x7FF] =	sst s3  }
0x7: {  	s6 =	sshll.u32 s5, $0x4;
	s7 =	smul.u32 $0x500, s2;
	_ =	strace $0x80000047  }
0x8: {  	s8 =	sshll.u32 s5, $0x7;
	s5 =	ssub.s32 $0x2, s5;
	s30 =	smul.u32 $0xA00, s2  }
0x9: {  	s13 =	sshll.u32 s2, $0x6;
	s6 =	sor.u32 s2, s6;
	s9 =	sshrl.u32 s5, $0x1  }
0xa: {  	s13 =	sor.u32 $0x1C02, s13;
	s6 =	smul.u32 $0x500, s6;
	s7 =	sor.u32 s8, s7  }
0xb: {  	s9 =	ssub.s32 s5, s9;
	s31 =	sshrl.u32 s30, $0x2;
	s7 =	sshrl.u32 s7, $0x3  }
0xc: {  	s8 =	simm.s32 $0x2880;
	s6 =	sadd.s32 s6, s4;
	s7 =	sadd.s32 s7, s4  }
0xd: {  	s4 =	sadd.s32 s31, s1;
	s5 =	sadd.s32 $0x1A00, s6;
	s6 =	sadd.s32 $0xBA00, s7  }
0xe: {  	v0 =	vimm.f32 $1.000000000e+00;
	v1 =	vimm.f32 $0.0e+00;
	s7 =	smax.u32 s9, $0x1;
	s9 =	simm.s32 $0x2;
	s14 =	sshrl.u32 s4, $0x3  }
.LBB2_1:
0xf: {  	[tilespmem:$0x2800] =	vst v0  }
0x10: {  	[tilespmem:$0x2810] =	vst v0  }
0x11: {  	[tilespmem:$0x2820] =	vst v0  }
0x12: {  	[tilespmem:$0x2830] =	vst v0  }
0x13: {  	[tilespmem:$0x2840] =	vst v0  }
0x14: {  	[tilespmem:$0x2850] =	vst v0  }
0x15: {  	[tilespmem:$0x2860] =	vst v0  }
0x16: {  	[tilespmem:$0x2870] =	vst v0  }
0x17: {  	[tilespmem:$0x2880] =	vst v1  }
0x18: {  	[tilespmem:$0x2890] =	vst v1  }
0x19: {  	[tilespmem:$0x28A0] =	vst v1  }
0x1a: {  	[tilespmem:$0x28B0] =	vst v1  }
0x1b: {  	[tilespmem:$0x28C0] =	vst v1  }
0x1c: {  	[tilespmem:$0x28D0] =	vst v1  }
0x1d: {  	[tilespmem:$0x28E0] =	vst v1  }
0x1e: {  	[tilespmem:$0x28F0] =	vst v1  }
0x1f: {  	[tilespmem:$0x2900] =	vst v1  }
0x20: {  	[tilespmem:$0x2910] =	vst v1  }
0x21: {  	[tilespmem:$0x2920] =	vst v1  }
0x22: {  	[tilespmem:$0x2930] =	vst v1  }
0x23: {  	[tilespmem:$0x2940] =	vst v1  }
0x24: {  	[tilespmem:$0x2950] =	vst v1  }
0x25: {  	[tilespmem:$0x2960] =	vst v1  }
0x26: {  	[tilespmem:$0x2970] =	vst v1  }
0x27: {  	[tilespmem:$0x2980] =	vst v1  }
0x28: {  	[tilespmem:$0x2990] =	vst v1  }
0x29: {  	[tilespmem:$0x29A0] =	vst v1  }
0x2a: {  	[tilespmem:$0x29B0] =	vst v1  }
0x2b: {  	[tilespmem:$0x29C0] =	vst v1  }
0x2c: {  	[tilespmem:$0x29D0] =	vst v1  }
0x2d: {  	[tilespmem:$0x29E0] =	vst v1  }
0x2e: {  	[tilespmem:$0x29F0] =	vst v1  }
0x2f: {  	[tilespmem:$0x2A00] =	vst v1  }
0x30: {  	[tilespmem:$0x2A10] =	vst v1  }
0x31: {  	[tilespmem:$0x2A20] =	vst v1  }
0x32: {  	[tilespmem:$0x2A30] =	vst v1  }
0x33: {  	[tilespmem:$0x2A40] =	vst v1  }
0x34: {  	[tilespmem:$0x2A50] =	vst v1  }
0x35: {  	[tilespmem:$0x2A60] =	vst v1  }
0x36: {  	[tilespmem:$0x2A70] =	vst v1  }
0x37: {  	[tilespmem:$0x2A80] =	vst v1  }
0x38: {  	[tilespmem:$0x2A90] =	vst v1  }
0x39: {  	[tilespmem:$0x2AA0] =	vst v1  }
0x3a: {  	[tilespmem:$0x2AB0] =	vst v1  }
0x3b: {  	[tilespmem:$0x2AC0] =	vst v1  }
0x3c: {  	[tilespmem:$0x2AD0] =	vst v1  }
0x3d: {  	[tilespmem:$0x2AE0] =	vst v1  }
0x3e: {  	[tilespmem:$0x2AF0] =	vst v1  }
0x3f: {  	[spmem:s4] =	stream.linear.scatter [tilespmem:s8], [sflag:$0x2], $0x280, $0x38;
	[tilespmem:$0x2D80] =	vst v63  }
0x40: {  	_ =	swait.ge [sflag:s9], $0x280  }
0x41: {  	[sflag:s9] =	ssyncset.done $0x0  }
0x42: {  	[sflag:s9] =	ssyncadd.s32 $0xFFFFFD80  }
0x43: {  	[tilespmem:s3], [sflag:$0x2] =	stream.linear.gather [hbm4b:s5+s3], $0x2780, $0x38;
	[tilespmem:$0x2D80] =	vst v63  }
0x44: {  	_ =	swait.ge [sflag:s9], $0x2780  }
0x45: {  	[sflag:s9] =	ssyncset.done $0x0  }
0x46: {  	[sflag:s9] =	ssyncadd.s32 $0xFFFFD880  }
0x47: {  	s18 =	simm.s32 $0x0;
	[bflag:$0x0] =	sbarrier.arrive $0xFFFF  }
.LBB2_2:
0x48: {  	p0 =	sne.s32 s18, $0x9C00  }
.Ltmp0:
0x49: {  	_ = 	snop;
	(pc) =	sbr.rel @p0 .LBB2_2-.Ltmp0, $3  }
0x4a: {  	_ =	sdelay $0x1  }
0x4b: {  	s19 =	sshra.s32 s18, $0x2;
	s18 =	sadd.s32 $0x200, s18  }
0x4c: {  	[spmem:s1] =	stream.indirect.scatter.add.f32 [tilespmem:s11], [sflag:$0x1], $0x1, s19, s10, $0xb8;
	[tilespmem:$0x2D80] =	vst v63  }
0x4d: {  	_ =	swait.ge [sflag:s12], $0x80  }
0x4e: {  	s18 =	simm.s32 $0x4E;
	[sflag:s12] =	ssyncset.done $0x0  }
.LBB2_4:
0x4f: {  	p0 =	sne.s32 s18, $0x1;
	s18 =	sadd.s32 $0xFFFFFFFF, s18;
	[sflag:s12] =	ssyncadd.s32 $0xFFFFFF80  }
.Ltmp1:
0x50: {  	(pc) =	sbr.rel @p0 .LBB2_4-.Ltmp1, $3  }
0x51: {  	_ =	sdelay $0x1  }
0x52: {  	_ =	swait.ge [sflag:s12], $0x80  }
0x53: {  	[sflag:s12] =	ssyncset.done $0x0  }
0x54: {  	s17 =	sadd.s32 $0x1, s17  }
0x55: {  	[sflag:s12] =	ssyncadd.s32 $0xFFFFFF80;
	p0 =	sne.s32 s17, s7  }
.Ltmp2:
0x56: {  	[bflag:$0x0] =	sbarrier.arrive $0xFFFF;
	(pc) =	sbr.rel @p0 .LBB2_1-.Ltmp2, $4  }
0x57: {  	[hbm:s6@s15], [sflag:s13] =	dma.strided [spmem:s14@s16], $0x50, s12, $0x10   }
0x58: {  	_ =	swait.ge [sflag:s9], $0x50  }
0x59: {  	[sflag:s9] =	ssyncset.done $0x0  }
0x5a: {  	[sflag:s9] =	ssyncadd.s32 $0xFFFFFFB0  }
0x5b: {  	_ =	sfence.sel $0x180000  }
0x5c: {  	[bflag:$0x0] =	sbarrier.arrive $0xFFFF  }
0x5d: {  	p0 =	sne.s32 s2, $0x0;
	_ =	strace $0x90000047  }
0x5e: {  	s0 =	sadd.s32 @!p0 $0x100000, s0;
	[bflag:$0x2] =	sbarrier.arrive $0xFFFF  }
0x5f: {  	[sflag:s0] =	ssyncadd.tile.s32 @!p0 $0x1;
	_ =	shalt  }
.Lfunc_end2:
_tile_overlayer_lowered:
.L_overlay_start_2:
0x60: {  	(tag) =	ssettag $0x2  }
0x61: {  	s0 =	rddreg [dreg:$0x0];
	s2 =	stileid.u32  }
0x62: {  	s1 =	rddreg [dreg:$0x1];
	p0 =	sne.s32 s2, $0x0  }
0x63: {  	s3 =	rddreg [dreg:$0x2];
	[bflag:$0x3] =	sbarrier.arrive $0xFFFF;
	s2 =	simm.s32 @!p0 $0x1C02  }
0x64: {  	[timem:s3], [sflag:s2] =	dma.local @!p0 [hbm:s0], s1  }
0x65: {  	s0 =	simm.s32 @!p0 $0x2  }
0x66: {  	_ =	swait.ge @!p0 [sflag:s0], s1  }
0x67: {  	s1 =	ssub.s32 @!p0 $0x0, s1;
	[sflag:s0] =	ssyncset.done @!p0 $0x0  }
0x68: {  	[sflag:s0] =	ssyncadd.s32 @!p0 s1  }
0x69: {  	[bflag:$0x3] =	sbarrier.arrive $0xFFFF  }
0x6a: {  	_ =	shalt  }

// kernel: kernel.9.cloned.1.call-start
scs
__scs_entry_jumppad:
0x0: {  	(pc) =	sbr.rel $0x88, $3  }
0x1: {  	(tag) =	ssettag $0x0;
	lr =	simm.s32 $0x1  }
0x2: {  	[smem:$0x3F9D] =	sst lr;
	_ =	strace $0xD0000000  }
0x3: {  	_ = 	snop  }
0x4: {  	_ = 	snop  }
0x5: {  	_ = 	snop  }
0x6: {  	_ = 	snop  }
0x7: {  	_ = 	snop  }
__scs_overlays_trampoline_lowered:
0x8: {  	[smem:$0x3FAC] =	sst s0  }
0x9: {  	[smem:$0x3FAD] =	sst s1  }
0xa: {  	[smem:$0x3FAE] =	sst s2  }
0xb: {  	[smem:$0x3FAF] =	sst s3  }
0xc: {  	[smem:$0x3FB0] =	sst s4  }
0xd: {  	[smem:$0x3FB1] =	sst s5  }
0xe: {  	[smem:$0x3FB2] =	sst s6  }
0xf: {  	[smem:$0x3FB3] =	sst s7  }
0x10: {  	[smem:$0x3FB4] =	sst s8  }
0x11: {  	[smem:$0x3FB5] =	sst s9;
	s0 =	simm.s32 @!p0 $0x0  }
0x12: {  	s1 =	sld [smem:$0x3F9B];
	s0 =	simm.s32 @p0 $0x1  }
0x13: {  	[smem:$0x3FB6] =	sst s0;
	s0 =	simm.s32 @!p1 $0x0  }
0x14: {  	s2 =	sld [smem:$0x3F9A];
	s0 =	simm.s32 @p1 $0x1  }
0x15: {  	[smem:$0x3FB7] =	sst s0;
	s0 =	simm.s32 @!p2 $0x0  }
0x16: {  	s3 =	sld [smem:$0x3FDB];
	s0 =	simm.s32 @p2 $0x1  }
0x17: {  	s4 =	simm.s32 $0x1BF5;
	[smem:$0x3FB9] =	sst s0  }
0x18: {  	s0 =	sld [smem:$0x3F9C];
	_ =	swait.ge [sflag:s4], $0x0  }
0x19: {  	s7 =	sld [smem:$0x3F9D]  }
0x1a: {  	s8 =	sadd.s32 $0xFFFFE003, lr  }
0x1b: {  	s9 =	sadd.s32 $0xFFFFFEF7, lr;
	s5 =	simm.s32 $0xFFFFFFFF;
	p2 =	slt.u32 s8, $0xFFFFF086  }
0x1c: {  	p1 =	slt.u32 s9, $0xF7A;
	s5 =	simm.s32 @!p2 $0x0  }
0x1d: {  	s5 =	simm.s32 @p1 $0x1;
	p0 =	seq.s32 s7, s2  }
0x1e: {  	s7 =	smul.u32 @!p0 $0xF7A, s2;
	p2 =	seq.s32 @!p0 s5, $0x0  }
0x1f: {  	s9 =	smul.u32 $0xF7A, s1;
	s8 =	simm.s32 @!p0 $0x1BF5;
	p2 =	por !p2, p0  }
0x20: {  	[sflag:s8] =	ssyncset.s32 @!p0 $0xFFFFF086;
	s6 =	sadd.s32 @!p0 s3, s7;
	s7 =	simm.s32 @!p0 $0x108  }
0x21: {  	s3 =	sadd.s32 s3, s9;
	s6 =	sadd.s32 @!p0 $0x88, s6;
	s7 =	simm.s32 @p2 $0x1082  }
0x22: {  	[simem:s7], [sflag:s8] =	dma.local @!p0 [hbm:s6], $0xF7A  }
0x23: {  	s9 =	sor.u32 $0xD0000000, s2;
	s6 =	simm.s32 $0x108;
	_ =	swait.ge @!p0 [sflag:s8], $0x0  }
0x24: {  	s3 =	sadd.s32 $0x88, s3;
	s6 =	simm.s32 @!p1 $0x1082;
	[sflag:s4] =	ssyncset.s32 $0xFFFFF086  }
0x25: {  	[simem:s6], [sflag:s4] =	dma.local [hbm:s3], $0xF7A  }
0x26: {  	[smem:$0x3F9D] =	sst s1;
	(tag) =	ssettag s2;
	_ =	strace s9  }
0x27: {  	s1 =	sld [smem:$0x3FAD]  }
0x28: {  	s2 =	sld [smem:$0x3FAE]  }
0x29: {  	s4 =	sld [smem:$0x3FB0]  }
0x2a: {  	p0 =	seq.s32 s5, $0x0;
	s5 =	sld [smem:$0x3FB1]  }
0x2b: {  	s6 =	sld [smem:$0x3FB2]  }
0x2c: {  	s7 =	sld [smem:$0x3FB3]  }
0x2d: {  	s3 =	simm.s32 $0x108;
	s8 =	sld [smem:$0x3FB4]  }
0x2e: {  	s3 =	simm.s32 @!p0 $0x1082;
	s9 =	sld [smem:$0x3FB5]  }
0x2f: {  	lr =	sadd.s32 s0, s3;
	s0 =	sld [smem:$0x3FAC]  }
0x30: {  	s3 =	sld [smem:$0x3FAF]  }
0x31: {  	[smem:$0x3FB8] =	sst s10  }
0x32: {  	s10 =	sld [smem:$0x3FB6];
	_ =	sdelay $0x3  }
0x33: {  	p0 =	seq.s32 s10, $0x1;
	s10 =	sld [smem:$0x3FB8];
	_ =	sdelay $0x3  }
0x34: {  	[smem:$0x3FB8] =	sst s10  }
0x35: {  	s10 =	sld [smem:$0x3FB7];
	_ =	sdelay $0x3  }
0x36: {  	p1 =	seq.s32 s10, $0x1;
	s10 =	sld [smem:$0x3FB8];
	_ =	sdelay $0x3  }
0x37: {  	[smem:$0x3FB8] =	sst s10  }
0x38: {  	s10 =	sld [smem:$0x3FB9]  }
0x39: {  	_ = 	snop;
	(pc) =	sbr.ind lr, $3  }
0x3a: {  	_ = 	snop  }
0x3b: {  	_ = 	snop  }
0x3c: {  	p2 =	seq.s32 s10, $0x1;
	s10 =	sld [smem:$0x3FB8]  }
0x3d: {  	_ =	shalt  }
0x3e: {  	_ =	shalt  }
0x3f: {  	_ =	shalt  }
0x40: {  	_ =	shalt  }
0x41: {  	_ =	shalt  }
0x42: {  	_ =	shalt  }
0x43: {  	_ =	shalt  }
0x44: {  	_ =	shalt  }
0x45: {  	_ =	shalt  }
0x46: {  	_ =	shalt  }
0x47: {  	_ =	shalt  }
0x48: {  	_ =	shalt  }
0x49: {  	_ =	shalt  }
0x4a: {  	_ =	shalt  }
0x4b: {  	_ =	shalt  }
0x4c: {  	_ =	shalt  }
0x4d: {  	_ =	shalt  }
0x4e: {  	_ =	shalt  }
0x4f: {  	_ =	shalt  }
0x50: {  	_ =	shalt  }
0x51: {  	_ =	shalt  }
0x52: {  	_ =	shalt  }
0x53: {  	_ =	shalt  }
0x54: {  	_ =	shalt  }
0x55: {  	_ =	shalt  }
0x56: {  	_ =	shalt  }
0x57: {  	_ =	shalt  }
0x58: {  	_ =	shalt  }
0x59: {  	_ =	shalt  }
0x5a: {  	_ =	shalt  }
0x5b: {  	_ =	shalt  }
0x5c: {  	_ =	shalt  }
0x5d: {  	_ =	shalt  }
0x5e: {  	_ =	shalt  }
0x5f: {  	_ =	shalt  }
0x60: {  	_ =	shalt  }
0x61: {  	_ =	shalt  }
0x62: {  	_ =	shalt  }
0x63: {  	_ =	shalt  }
0x64: {  	_ =	shalt  }
0x65: {  	_ =	shalt  }
0x66: {  	_ =	shalt  }
0x67: {  	_ =	shalt  }
0x68: {  	_ =	shalt  }
0x69: {  	_ =	shalt  }
0x6a: {  	_ =	shalt  }
0x6b: {  	_ =	shalt  }
0x6c: {  	_ =	shalt  }
0x6d: {  	_ =	shalt  }
0x6e: {  	_ =	shalt  }
0x6f: {  	_ =	shalt  }
0x70: {  	_ =	shalt  }
0x71: {  	_ =	shalt  }
0x72: {  	_ =	shalt  }
0x73: {  	_ =	shalt  }
0x74: {  	_ =	shalt  }
0x75: {  	_ =	shalt  }
0x76: {  	_ =	shalt  }
0x77: {  	_ =	shalt  }
0x78: {  	_ =	shalt  }
0x79: {  	_ =	shalt  }
0x7a: {  	_ =	shalt  }
0x7b: {  	_ =	shalt  }
0x7c: {  	_ =	shalt  }
0x7d: {  	_ =	shalt  }
0x7e: {  	_ =	shalt  }
0x7f: {  	_ =	shalt  }
0x80: {  	_ =	shalt  }
0x81: {  	_ =	shalt  }
0x82: {  	_ =	shalt  }
0x83: {  	_ =	shalt  }
0x84: {  	_ =	shalt  }
0x85: {  	_ =	shalt  }
0x86: {  	_ =	shalt  }
0x87: {  	_ =	shalt  }
.Lfunc_end0:
.L_simem_size_0:
called_computation.1_lowered:
.L_overlay_start_0:
0x88: {  	s2 =	sld [smem:$0x3FD9]  }
0x89: {  	s3 =	sld [smem:$0x3FFE];
	_ =	sdelay $0x1  }
0x8a: {  	s1 =	srdreg.scid  }
0x8b: {  	s0 =	sand.u32 $0x1, s1  }
0x8c: {  	s17 =	sshll.u32 s0, $0xA;
	s2 =	sadd.s32 s3, s2  }
0x8d: {  	s2 =	sadd.s32 s2, s17  }
0x8e: {  	[smem:$0x3FC4] =	sst s2  }
0x8f: {  	_ = 	snop  }
0x90: {  	s2 =	sld [smem:$0x3FD0];
	(tm) =	ssettm $0x1  }
0x91: {  	s18 =	sld [smem:$0x3FFB];
	_ =	sdelay $0x3  }
0x92: {  	_ =	strace s18  }
0x93: {  	s3 =	sld [smem:$0x3FFC];
	_ =	sdelay $0x3  }
0x94: {  	_ =	strace s3  }
0x95: {  	s3 =	sld [smem:$0x3FFD];
	_ =	sdelay $0x3  }
0x96: {  	_ =	strace s3  }
0x97: {  	_ =	strace $0x8FFFFFFF  }
0x98: {  	s19 =	sld [smem:$0x3FDB];
	_ =	sdelay $0x1  }
0x99: {  	s4 =	simm.s32 $_scs_section_size  }
0x9a: {  	s5 =	simm.s32 $_size__tile_overlayer_lowered;
	s6 =	simm.s32 $_tile_overlayer_lowered  }
0x9b: {  	s22 =	simm.s32 $0x1BFF;
	s21 =	sshll.u32 s6, $0x1;
	s3 =	sadd.s32 s4, s19  }
0x9c: {  	s7 =	simm.s32 $0x0;
	s20 =	sshll.u32 s5, $0x1;
	s5 =	sadd.s32 s21, s3  }
0x9d: {  	[timem:s7], [sflag:s22] =	dma.local [hbm:s5], s20  }
0x9e: {  	_ =	swait.ge [sflag:s22], s20  }
0x9f: {  	s4 =	ssub.s32 $0x0, s20;
	[sflag:s22] =	ssyncset.done $0x0  }
0xa0: {  	[sflag:s22] =	ssyncadd.s32 s4;
	_ =	sdelay $0x1  }
0xa1: {  	s23 =	simm.s32 $0x1B8B  }
0xa2: {  	_ =	swait.ge [sflag:s23], $0x1  }
0xa3: {  	[sflag:s23] =	ssyncset.done $0x0  }
0xa4: {  	s25 =	simm.s32 $0x1B8E;
	s24 =	sld [smem:$0x3FFE];
	[sflag:s23] =	ssyncadd.s32 $0xFFFFFFFF  }
0xa5: {  	s26 =	simm.s32 $execute0_lowered;
	[smem:$0x3FD2] =	sst s25  }
0xa6: {  	s5 =	sshll.u32 s26, $0x1;
	_ =	strace $0x80000049;
	[dreg:$0x1] =	wrdreg $0xFFFFFFFF  }
0xa7: {  	s28 =	simm.s32 $_size_execute0_lowered;
	s3 =	sadd.s32 s3, s5;
	[dreg:$0x0] =	wrdreg $0x0  }
0xa8: {  	s5 =	sshll.u32 s28, $0x1;
	[dreg:$0x2] =	wrdreg s3  }
0xa9: {  	[dreg:$0x3] =	wrdreg s5  }
0xaa: {  	[dreg:$0x4] =	wrdreg $0xC0  }
0xab: {  	_ =	task [dreg:s7], $0x5FFFF  }
0xac: {  	[dreg:$0x1] =	wrdreg $0xFFFFFFFF  }
0xad: {  	[dreg:$0x0] =	wrdreg $0x60  }
0xae: {  	[dreg:$0x2] =	wrdreg s2  }
0xaf: {  	[dreg:$0x3] =	wrdreg s24  }
0xb0: {  	[dreg:$0x4] =	wrdreg $0xA9000  }
0xb1: {  	[dreg:$0x5] =	wrdreg $0x9  }
0xb2: {  	_ =	task.clear_ibuf [dreg:s7], $0x6FFFF;
	_ =	strace $0x90000049  }
0xb3: {  	s29 =	simm.s32 $0x9;
	_ =	strace $0x8000004B  }
0xb4: {  	_ =	swait.ge [sflag:s29], $0x1  }
0xb5: {  	[sflag:s29] =	ssyncadd.s32 $0xFFFFFFFF  }
0xb6: {  	_ =	strace $0x9000004B  }
0xb7: {  	_ =	sfence  }
0xb8: {  	s30 =	sld [smem:$0x0];
	_ =	sdelay $0x2  }
0xb9: {  	s31 =	sshll.u32 s1, $0xD;
	s1 =	sshrl.u32 s1, $0x2  }
0xba: {  	s3 =	sand.u32 $0x4000, s31;
	s1 =	sadd.s32 s1, s30  }
0xbb: {  	s0 =	sor.u32 s3, s0;
	s1 =	sshll.u32 s1, $0x11  }
0xbc: {  	s0 =	sor.u32 s1, s0  }
0xbd: {  	s0 =	sadd.s32 $0x8F2B, s0  }
0xbe: {  	[sflag:s0] =	ssyncadd.remote.s32 $0x1  }
0xbf: {  	_ =	sfence.sel $0xFFFF  }
0xc0: {  	[dreg:$0x0] =	wrdreg $0xFFFFFFFF;
	(pc) =	sbr.abs _section_cstart, $3  }
0xc1: {  	[dreg:$0x1] =	wrdreg $0xFFFFFFFF  }
0xc2: {  	_ =	task.clear_ibuf [dreg:s7], $0x2FFFF;
	_ =	strace $0x9FFFFFFF  }
0xc3: {  	(tm) =	ssettm $0x7FFFFFFF  }
tec
execute0_lowered:
.L_overlay_start_1:
0x0: {  	(tag) =	ssettag $0x1  }
0x1: {  	s0 =	rddreg [dreg:$0x0]  }
0x2: {  	s2 =	rddreg [dreg:$0x1]  }
0x3: {  	s1 =	rddreg [dreg:$0x2]  }
0x4: {  	s3 =	srdreg.scid;
	s12 =	stileid.u32;
	s19 =	simm.s32 $0x2900  }
0x5: {  	s20 =	simm.s32 $0x5;
	s21 =	simm.s32 $0x80;
	s28 =	simm.s32 $0x4  }
0x6: {  	s29 =	simm.s32 $0x2;
	s31 =	simm.s32 $0x0;
	s8 =	smul.u32 $0x14000, s12  }
0x7: {  	s7 =	sand.u32 $0x1, s3;
	s3 =	simm.s32 $0x0;
	s9 =	smul.u32 $0x50000, s12  }
0x8: {  	s4 =	sadd.s32 $0xC400, s2;
	s5 =	sadd.s32 $0x16200, s2;
	s6 =	smul.u32 $0x140000, s7  }
0x9: {  	[smem:$0x7FF] =	sst s3;
	s22 =	sshll.u32 s7, $0x4;
	s23 =	ssub.s32 $0x2, s7  }
0xa: {  	s7 =	smul.u32 $0x27800, s7;
	_ =	strace $0x8000004A;
	s10 =	sor.u32 s12, s22  }
0xb: {  	s24 =	sshrl.u32 s23, $0x1;
	s9 =	sshrl.u32 s9, $0x2;
	s12 =	smul.u32 $0x2780, s12  }
0xc: {  	s22 =	simm.s32 $0x2800;
	s6 =	sadd.s32 s8, s6;
	s11 =	smul.u32 $0x2780, s10  }
0xd: {  	s15 =	ssub.s32 s23, s24;
	s13 =	smul.u32 $0x500, s10;
	s23 =	simm.s32 $0x6900  }
0xe: {  	s24 =	simm.s32 $0x2880;
	s6 =	sshrl.u32 s6, $0x3;
	s7 =	sadd.s32 s12, s7  }
0xf: {  	s15 =	smax.u32 s15, $0x1;
	s2 =	sadd.s32 s6, s2;
	s6 =	sadd.s32 s9, s1  }
0x10: {  	s11 =	sshrl.u32 s11, $0x3;
	s12 =	sadd.s32 s0, s13;
	s30 =	sadd.s32 $0x180, s7  }
0x11: {  	s17 =	sadd.s32 $0x100, s7;
	s25 =	sadd.s32 $0x4000, s6;
	s26 =	sadd.s32 $0x8000, s6  }
0x12: {  	s9 =	sadd.s32 $0xC000, s6;
	s10 =	sadd.s32 $0x10000, s6;
	s11 =	sadd.s32 s4, s11  }
0x13: {  	s14 =	sadd.s32 $0x3E200, s2;
	s0 =	sshrl.u32 s30, $0x3;
	[dreg:$0x4] =	wrdreg s25  }
0x14: {  	[dreg:$0x5] =	wrdreg s26;
	s13 =	sadd.s32 $0x10, s11;
	s16 =	sadd.s32 $0x4E0, s11  }
0x15: {  	v0 =	vimm.f32 $0.0e+00;
	s18 =	sadd.s32 s0, s4;
	s25 =	simm.s32 $0x3;
	s26 =	simm.s32 $0x1  }
.LBB2_1:
0x16: {  	s0 =	simm.s32 $0x0;
	s2 =	simm.s32 $0x200  }
.LBB2_2:
0x17: {  	p0 =	sne.s32 s2, $0xFE00;
	[tilespmem:s0+$0x2970] =	vst v0  }
0x18: {  	[tilespmem:s0+$0x2900] =	vst v0  }
0x19: {  	[tilespmem:s0+$0x2910] =	vst v0  }
.Ltmp0:
0x1a: {  	[tilespmem:s0+$0x2920] =	vst v0;
	(pc) =	sbr.rel @p0 .LBB2_2-.Ltmp0, $4  }
0x1b: {  	[tilespmem:s0+$0x2930] =	vst v0  }
0x1c: {  	[tilespmem:s0+$0x2940] =	vst v0  }
0x1d: {  	[tilespmem:s0+$0x2950] =	vst v0  }
0x1e: {  	[tilespmem:s0+$0x2960] =	vst v0;
	s0 =	sshra.s32 s2, $0x2;
	s2 =	sadd.s32 $0x200, s2  }
0x1f: {  	[tilespmem:s0+$0x2970] =	vst v0  }
0x20: {  	[tilespmem:s0+$0x2900] =	vst v0  }
0x21: {  	[tilespmem:s0+$0x2910] =	vst v0  }
0x22: {  	[tilespmem:s0+$0x2920] =	vst v0  }
0x23: {  	[tilespmem:s0+$0x2930] =	vst v0  }
0x24: {  	[tilespmem:s0+$0x2940] =	vst v0  }
0x25: {  	[tilespmem:s0+$0x2950] =	vst v0  }
0x26: {  	[tilespmem:s0+$0x2960] =	vst v0  }
0x27: {  	[spmem:s6] =	stream.linear.scatter [tilespmem:s19], [sflag:$0x5], $0x4000, $0x38;
	[tilespmem:$0x1E900] =	vst v63  }
0x28: {  	_ =	swait.ge [sflag:s20], $0x4000  }
0x29: {  	[sflag:s20] =	ssyncset.done $0x0  }
0x2a: {  	s8 =	rddreg [dreg:$0x4];
	[sflag:s20] =	ssyncadd.s32 $0xFFFFC000  }
0x2b: {  	[spmem:s8] =	stream.linear.scatter [tilespmem:s19], [sflag:$0x5], $0x4000, $0x38;
	[tilespmem:$0x1E900] =	vst v63  }
0x2c: {  	_ =	swait.ge [sflag:s20], $0x4000  }
0x2d: {  	[sflag:s20] =	ssyncset.done $0x0  }
0x2e: {  	s2 =	rddreg [dreg:$0x5];
	[sflag:s20] =	ssyncadd.s32 $0xFFFFC000  }
0x2f: {  	[spmem:s2] =	stream.linear.scatter [tilespmem:s19], [sflag:$0x5], $0x4000, $0x38;
	[tilespmem:$0x1E900] =	vst v63  }
0x30: {  	_ =	swait.ge [sflag:s20], $0x4000  }
0x31: {  	[sflag:s20] =	ssyncset.done $0x0  }
0x32: {  	[sflag:s20] =	ssyncadd.s32 $0xFFFFC000  }
0x33: {  	[spmem:s9] =	stream.linear.scatter [tilespmem:s19], [sflag:$0x5], $0x4000, $0x38;
	[tilespmem:$0x1E900] =	vst v63  }
0x34: {  	_ =	swait.ge [sflag:s20], $0x4000  }
0x35: {  	[sflag:s20] =	ssyncset.done $0x0  }
0x36: {  	[sflag:s20] =	ssyncadd.s32 $0xFFFFC000  }
0x37: {  	[spmem:s10] =	stream.linear.scatter [tilespmem:s19], [sflag:$0x5], $0x4000, $0x38;
	[tilespmem:$0x1E900] =	vst v63  }
0x38: {  	_ =	swait.ge [sflag:s20], $0x4000  }
0x39: {  	[sflag:s20] =	ssyncset.done $0x0  }
0x3a: {  	s7 =	simm.s32 $0x0;
	[sflag:s20] =	ssyncadd.s32 $0xFFFFC000  }
0x3b: {  	[tilespmem:s7], [sflag:$0x5] =	stream.linear.gather [hbm4b:s12+s7], $0x2780, $0x38;
	[tilespmem:$0x1E900] =	vst v63  }
0x3c: {  	_ =	swait.ge [sflag:s20], $0x2780  }
0x3d: {  	[sflag:s20] =	ssyncset.done $0x0  }
0x3e: {  	[sflag:s20] =	ssyncadd.s32 $0xFFFFD880  }
0x3f: {  	[bflag:$0x0] =	sbarrier.arrive $0xFFFF  }
0x40: {  	[tilespmem:s19], [sflag:$0x1] =	stream.indirect.gather [hbm4b:s5+s21], $0x80, s7, s21, $0xb8;
	[tilespmem:$0x1E900] =	vst v63  }
0x41: {  	_ = 	snop  }
0x42: {  	[tilespmem:s22], [sflag:$0x3] =	stream.linear.gather [hbm4b:s11+s7], $0x80, $0x38;
	[tilespmem:$0x1E900] =	vst v63  }
0x43: {  	_ = 	snop  }
0x44: {  	[tilespmem:s23], [sflag:$0x2] =	stream.indirect.gather [hbm4b:s5+s21], $0x80, s21, s21, $0xb8;
	[tilespmem:$0x1E900] =	vst v63  }
0x45: {  	_ = 	snop  }
0x46: {  	[tilespmem:s24], [sflag:$0x4] =	stream.linear.gather [hbm4b:s13+s7], $0x80, $0x38;
	[tilespmem:$0x1E900] =	vst v63  }
0x47: {  	_ =	swait.ge [sflag:s25], $0x80  }
0x48: {  	[sflag:s25] =	ssyncset.done $0x0  }
0x49: {  	[sflag:s25] =	ssyncadd.s32 $0xFFFFFF80  }
0x4a: {  	_ =	swait.ge [sflag:s26], $0x4000  }
0x4b: {  	[sflag:s26] =	ssyncset.done $0x0  }
0x4c: {  	[sflag:s26] =	ssyncadd.s32 $0xFFFFC000  }
0x4d: {  	[spmem:s1] =	stream.indirect.scatter.add.f32 [tilespmem:s19], [sflag:$0x5], $0x80, s22, s21, $0xb8;
	[tilespmem:$0x1E900] =	vst v63  }
0x4e: {  	_ =	swait.ge [sflag:s20], $0x4000  }
0x4f: {  	[sflag:s20] =	ssyncset.done $0x0  }
0x50: {  	s8 =	simm.s32 $0x100;
	s2 =	sshrl.u32 s17, $0x3;
	[sflag:s20] =	ssyncadd.s32 $0xFFFFC000  }
0x51: {  	[tilespmem:s19], [sflag:$0x1] =	stream.indirect.gather [hbm4b:s5+s21], $0x80, s8, s21, $0xb8;
	[tilespmem:$0x1E900] =	vst v63  }
0x52: {  	s7 =	sadd.s32 s4, s2  }
0x53: {  	[tilespmem:s22], [sflag:$0x3] =	stream.linear.gather [hbm4b:s7+s3], $0x80, $0x38;
	[tilespmem:$0x1E900] =	vst v63  }
0x54: {  	_ =	swait.ge [sflag:s28], $0x80  }
0x55: {  	[sflag:s28] =	ssyncset.done $0x0  }
0x56: {  	[sflag:s28] =	ssyncadd.s32 $0xFFFFFF80  }
0x57: {  	_ =	swait.ge [sflag:s29], $0x4000  }
0x58: {  	[sflag:s29] =	ssyncset.done $0x0  }
0x59: {  	[sflag:s29] =	ssyncadd.s32 $0xFFFFC000  }
0x5a: {  	[spmem:s1] =	stream.indirect.scatter.add.f32 [tilespmem:s23], [sflag:$0x5], $0x80, s24, s21, $0xb8;
	[tilespmem:$0x1E900] =	vst v63  }
0x5b: {  	s0 =	simm.s32 $0x20;
	_ =	swait.ge [sflag:s20], $0x4000  }
0x5c: {  	s30 =	sadd.s32 $0x100, s17;
	s2 =	simm.s32 $0x200;
	[sflag:s20] =	ssyncset.done $0x0  }
0x5d: {  	s8 =	simm.s32 $0x180;
	s7 =	sadd.s32 $0x0, s18;
	[sflag:s20] =	ssyncadd.s32 $0xFFFFC000  }
0x5e: {  	[tilespmem:s23], [sflag:$0x2] =	stream.indirect.gather [hbm4b:s5+s21], $0x80, s8, s21, $0xb8;
	[tilespmem:$0x1E900] =	vst v63  }
.LBB2_4:
0x5f: {  	[tilespmem:s24], [sflag:$0x4] =	stream.linear.gather [hbm4b:s7+s3], $0x80, $0x38;
	[tilespmem:$0x1E900] =	vst v63  }
0x60: {  	s7 =	smov.u32 s0  }
0x61: {  	p0 =	sne.s32 s0, $0x4A0;
	s0 =	sadd.s32 $0x20, s0;
	_ =	swait.ge [sflag:s25], $0x80  }
0x62: {  	[sflag:s25] =	ssyncset.done $0x0  }
0x63: {  	[sflag:s25] =	ssyncadd.s32 $0xFFFFFF80  }
0x64: {  	_ =	swait.ge [sflag:s26], $0x4000  }
0x65: {  	[sflag:s26] =	ssyncset.done $0x0  }
0x66: {  	[sflag:s26] =	ssyncadd.s32 $0xFFFFC000  }
0x67: {  	[spmem:s1] =	stream.indirect.scatter.add.f32 [tilespmem:s19], [sflag:$0x5], $0x80, s22, s21, $0xb8;
	[tilespmem:$0x1E900] =	vst v63  }
0x68: {  	_ =	swait.ge [sflag:s20], $0x4000  }
0x69: {  	[sflag:s20] =	ssyncset.done $0x0  }
0x6a: {  	s8 =	sshrl.u32 s30, $0x3;
	[sflag:s20] =	ssyncadd.s32 $0xFFFFC000  }
0x6b: {  	[tilespmem:s19], [sflag:$0x1] =	stream.indirect.gather [hbm4b:s5+s21], $0x80, s2, s21, $0xb8;
	[tilespmem:$0x1E900] =	vst v63  }
0x6c: {  	s8 =	sadd.s32 s4, s8  }
0x6d: {  	[tilespmem:s22], [sflag:$0x3] =	stream.linear.gather [hbm4b:s8+s3], $0x80, $0x38;
	[tilespmem:$0x1E900] =	vst v63  }
0x6e: {  	_ =	swait.ge [sflag:s28], $0x80  }
0x6f: {  	[sflag:s28] =	ssyncset.done $0x0  }
0x70: {  	[sflag:s28] =	ssyncadd.s32 $0xFFFFFF80  }
0x71: {  	_ =	swait.ge [sflag:s29], $0x4000  }
0x72: {  	[sflag:s29] =	ssyncset.done $0x0  }
0x73: {  	[sflag:s29] =	ssyncadd.s32 $0xFFFFC000  }
0x74: {  	[spmem:s1] =	stream.indirect.scatter.add.f32 [tilespmem:s23], [sflag:$0x5], $0x80, s24, s21, $0xb8;
	[tilespmem:$0x1E900] =	vst v63  }
.Ltmp1:
0x75: {  	_ =	swait.ge [sflag:s20], $0x4000;
	(pc) =	sbr.rel @p0 .LBB2_4-.Ltmp1, $4  }
0x76: {  	[sflag:s20] =	ssyncset.done $0x0  }
0x77: {  	s8 =	sadd.s32 $0x80, s2;
	[sflag:s20] =	ssyncadd.s32 $0xFFFFC000  }
0x78: {  	[tilespmem:s23], [sflag:$0x2] =	stream.indirect.gather [hbm4b:s5+s21], $0x80, s8, s21, $0xb8;
	[tilespmem:$0x1E900] =	vst v63  }
0x79: {  	s30 =	sadd.s32 $0x100, s30;
	s7 =	sadd.s32 s7, s18;
	s2 =	sadd.s32 $0x100, s2  }
0x7a: {  	[tilespmem:s24], [sflag:$0x4] =	stream.linear.gather [hbm4b:s7+s3], $0x80, $0x38;
	[tilespmem:$0x1E900] =	vst v63  }
0x7b: {  	_ =	swait.ge [sflag:s25], $0x80  }
0x7c: {  	[sflag:s25] =	ssyncset.done $0x0  }
0x7d: {  	[sflag:s25] =	ssyncadd.s32 $0xFFFFFF80  }
0x7e: {  	_ =	swait.ge [sflag:s26], $0x4000  }
0x7f: {  	[sflag:s26] =	ssyncset.done $0x0  }
0x80: {  	[sflag:s26] =	ssyncadd.s32 $0xFFFFC000  }
0x81: {  	[spmem:s1] =	stream.indirect.scatter.add.f32 [tilespmem:s19], [sflag:$0x5], $0x80, s22, s21, $0xb8;
	[tilespmem:$0x1E900] =	vst v63  }
0x82: {  	_ =	swait.ge [sflag:s20], $0x4000  }
0x83: {  	[sflag:s20] =	ssyncset.done $0x0  }
0x84: {  	s0 =	simm.s32 $0x2700;
	[sflag:s20] =	ssyncadd.s32 $0xFFFFC000  }
0x85: {  	[tilespmem:s19], [sflag:$0x1] =	stream.indirect.gather [hbm4b:s5+s21], $0x80, s0, s21, $0xb8;
	[tilespmem:$0x1E900] =	vst v63  }
0x86: {  	_ = 	snop  }
0x87: {  	[tilespmem:s22], [sflag:$0x3] =	stream.linear.gather [hbm4b:s16+s3], $0x80, $0x38;
	[tilespmem:$0x1E900] =	vst v63  }
0x88: {  	_ =	swait.ge [sflag:s28], $0x80  }
0x89: {  	[sflag:s28] =	ssyncset.done $0x0  }
0x8a: {  	[sflag:s28] =	ssyncadd.s32 $0xFFFFFF80  }
0x8b: {  	_ =	swait.ge [sflag:s29], $0x4000  }
0x8c: {  	[sflag:s29] =	ssyncset.done $0x0  }
0x8d: {  	[sflag:s29] =	ssyncadd.s32 $0xFFFFC000  }
0x8e: {  	[spmem:s1] =	stream.indirect.scatter.add.f32 [tilespmem:s23], [sflag:$0x5], $0x80, s24, s21, $0xb8;
	[tilespmem:$0x1E900] =	vst v63  }
0x8f: {  	_ =	swait.ge [sflag:s20], $0x4000  }
0x90: {  	[sflag:s20] =	ssyncset.done $0x0  }
0x91: {  	[sflag:s20] =	ssyncadd.s32 $0xFFFFC000  }
0x92: {  	_ =	swait.ge [sflag:s25], $0x80  }
0x93: {  	[sflag:s25] =	ssyncset.done $0x0  }
0x94: {  	[sflag:s25] =	ssyncadd.s32 $0xFFFFFF80  }
0x95: {  	_ =	swait.ge [sflag:s26], $0x4000  }
0x96: {  	[sflag:s26] =	ssyncset.done $0x0  }
0x97: {  	[sflag:s26] =	ssyncadd.s32 $0xFFFFC000  }
0x98: {  	[spmem:s1] =	stream.indirect.scatter.add.f32 [tilespmem:s19], [sflag:$0x5], $0x80, s22, s21, $0xb8;
	[tilespmem:$0x1E900] =	vst v63  }
0x99: {  	s30 =	stileid.u32;
	_ =	swait.ge [sflag:s20], $0x4000  }
0x9a: {  	s2 =	sshrl.u32 s6, $0x3;
	s31 =	sadd.s32 $0x1, s31;
	[sflag:s20] =	ssyncset.done $0x0  }
0x9b: {  	p0 =	sne.s32 s31, s15;
	s0 =	sshll.u32 s30, $0x6;
	[sflag:s20] =	ssyncadd.s32 $0xFFFFC000  }
.Ltmp2:
0x9c: {  	s0 =	sor.u32 $0x1C05, s0;
	[bflag:$0x0] =	sbarrier.arrive $0xFFFF;
	(pc) =	sbr.rel @p0 .LBB2_1-.Ltmp2, $4  }
0x9d: {  	[hbm:s14], [sflag:s0] =	dma.local [spmem:s2], $0x2800  }
0x9e: {  	_ =	swait.ge [sflag:s20], $0x2800  }
0x9f: {  	[sflag:s20] =	ssyncset.done $0x0  }
0xa0: {  	[sflag:s20] =	ssyncadd.s32 $0xFFFFD800  }
0xa1: {  	_ =	sfence.sel $0x180000  }
0xa2: {  	[bflag:$0x0] =	sbarrier.arrive $0xFFFF  }
0xa3: {  	_ =	strace $0x9000004A  }
0xa4: {  	s0 =	stileid.u32;
	[bflag:$0x2] =	sbarrier.arrive $0xFFFF  }
0xa5: {  	p0 =	sne.s32 s0, $0x0;
	s0 =	rddreg [dreg:$0x3]  }
0xa6: {  	s0 =	sadd.s32 @!p0 $0x100000, s0  }
0xa7: {  	[sflag:s0] =	ssyncadd.tile.s32 @!p0 $0x1;
	_ =	shalt  }
.Lfunc_end2:
_tile_overlayer_lowered:
.L_overlay_start_2:
0xa8: {  	(tag) =	ssettag $0x2  }
0xa9: {  	s0 =	rddreg [dreg:$0x0];
	s2 =	stileid.u32  }
0xaa: {  	s1 =	rddreg [dreg:$0x1];
	p0 =	sne.s32 s2, $0x0  }
0xab: {  	s3 =	rddreg [dreg:$0x2];
	[bflag:$0x3] =	sbarrier.arrive $0xFFFF;
	s2 =	simm.s32 @!p0 $0x1C05  }
0xac: {  	[timem:s3], [sflag:s2] =	dma.local @!p0 [hbm:s0], s1  }
0xad: {  	s0 =	simm.s32 @!p0 $0x5  }
0xae: {  	_ =	swait.ge @!p0 [sflag:s0], s1  }
0xaf: {  	s1 =	ssub.s32 @!p0 $0x0, s1;
	[sflag:s0] =	ssyncset.done @!p0 $0x0  }
0xb0: {  	[sflag:s0] =	ssyncadd.s32 @!p0 s1  }
0xb1: {  	[bflag:$0x3] =	sbarrier.arrive $0xFFFF  }
0xb2: {  	_ =	shalt  }

</sc_bundles>
